<compile_context>
chip_gen: v7x
topology: tpu7x:2x2x1
jax: 0.10.2.dev20260603
libtpu: 0.0.44.dev20260713+nightly
codegen_flags: <defaults>
</compile_context>

<pallas_src>
import functools

import jax
import jax.numpy as jnp
from jax import lax
from jax.experimental import pallas as pl
from jax.experimental.pallas import tpu as pltpu
from jax.experimental.pallas import tpu_sc as plsc

N = 10000
E = 320000
IN_DIM = 128
H = 8
D = 16
HD = H * D
ROW = HD + H

NC = 2
NS = 16
NW = NC * NS
EPW = E // NW
N_ACC = 10240
RPT = N_ACC // NS
B = 80
NB = EPW // B


def _proj_body(h_ref, wq_ref, wkv_ref, q_ref, kv_ref):
    hb = h_ref[...]
    q_ref[...] = jnp.dot(hb, wq_ref[...], preferred_element_type=jnp.float32)
    kv_ref[...] = jnp.dot(hb, wkv_ref[...], preferred_element_type=jnp.float32)


def _project(h, wq, wkv):
    blk = 1000
    grid = (N // blk,)
    return pl.pallas_call(
        _proj_body,
        grid=grid,
        in_specs=[
            pl.BlockSpec((blk, IN_DIM), lambda i: (i, 0)),
            pl.BlockSpec((IN_DIM, HD), lambda i: (0, 0)),
            pl.BlockSpec((IN_DIM, 2 * HD), lambda i: (0, 0)),
        ],
        out_specs=[
            pl.BlockSpec((blk, HD), lambda i: (i, 0)),
            pl.BlockSpec((blk, 2 * HD), lambda i: (i, 0)),
        ],
        out_shape=[
            jax.ShapeDtypeStruct((N, HD), jnp.float32),
            jax.ShapeDtypeStruct((N, 2 * HD), jnp.float32),
        ],
    )(h, wq, wkv)


def _edge_body(q_hbm, kv_hbm, idx_hbm, partial_hbm,
               idx2, kv_rows, q_rows, out_rows,
               acc, sem1, sem2):
    cid = lax.axis_index("c")
    sid = lax.axis_index("s")
    wid = sid * NC + cid
    base_b = wid * NB

    lane = lax.iota(jnp.int32, 16)

    NZC = (ROW + 15) // 16
    def _zo(i, carry):
        r = i // NZC
        c = i % NZC
        col = jnp.minimum(c * 16, ROW - 16)
        out_rows[r, pl.ds(col, 16)] = jnp.zeros((16,), jnp.float32)
        return carry

    lax.fori_loop(0, B * NZC, _zo, 0)
    for j in range(RPT // B):
        pltpu.sync_copy(out_rows, acc.at[pl.ds(sid * RPT + j * B, B)])
    plsc.subcore_barrier()

    inv_sqrt_d = 0.25

    def _group16(rows):
        def _sbody(tt, parts):
            t = tt * 4
            out = list(parts)
            for k in range(4):
                rot = (lane + (t + k)) & (D - 1)
                for h in range(H):
                    col = rot + (h * D)
                    kk = plsc.load_gather(kv_rows, [rows, col])
                    qq = plsc.load_gather(q_rows, [rows, col])
                    out[h] = out[h] + kk * qq
            return tuple(out)

        parts = plsc.parallel_loop(
            0, D // 4, carry=tuple(jnp.zeros((16,), jnp.float32)
                                   for _ in range(H)))(_sbody)
        ps = [jnp.exp(jnp.clip(s * inv_sqrt_d, -5.0, 5.0)) for s in parts]

        def _vbody(tt):
            t = tt * 4
            for k in range(4):
                rot = (lane + (t + k)) & (D - 1)
                for h in range(H):
                    ocol = rot + (h * D)
                    vv = plsc.load_gather(kv_rows, [rows, ocol + HD])
                    plsc.store_scatter(out_rows, [rows, ocol], vv * ps[h])

        plsc.parallel_loop(0, D // 4)(_vbody)
        for h in range(H):
            dcol = jnp.full((16,), HD + h, jnp.int32)
            plsc.store_scatter(out_rows, [rows, dcol], ps[h])

    def _group(g):
        _group16(g * 16 + lane)

    def _batch(i, carry):
        pltpu.sync_copy(idx_hbm.at[base_b + i], idx2)
        src_r = idx2.at[0]
        dst_r = idx2.at[1]
        c1 = pltpu.async_copy(kv_hbm.at[src_r], kv_rows, sem1)
        c2 = pltpu.async_copy(q_hbm.at[dst_r], q_rows, sem2)
        c1.wait()
        c2.wait()
        plsc.parallel_loop(0, B // 16)(_group)
        pltpu.sync_copy(out_rows, acc.at[dst_r], add=True)
        return carry

    lax.fori_loop(0, NB, _batch, 0)

    plsc.subcore_barrier()
    pltpu.sync_copy(acc.at[pl.ds(sid * RPT, RPT)],
                    partial_hbm.at[cid, pl.ds(sid * RPT, RPT)])


def _edge_pass(q, kv, idx_packed):
    mesh = plsc.VectorSubcoreMesh(core_axis_name="c", subcore_axis_name="s",
                                  num_cores=NC, num_subcores=NS)
    f = pl.kernel(
        _edge_body,
        out_type=jax.ShapeDtypeStruct((NC, N_ACC, ROW), jnp.float32),
        mesh=mesh,
        scratch_types=[
            pltpu.VMEM((2, B), jnp.int32),
            pltpu.VMEM((B, 2 * HD), jnp.float32),
            pltpu.VMEM((B, HD), jnp.float32),
            pltpu.VMEM((B, ROW), jnp.float32),
            pltpu.VMEM_SHARED((N_ACC, ROW), jnp.float32),
            pltpu.SemaphoreType.DMA,
            pltpu.SemaphoreType.DMA,
        ],
        compiler_params=pltpu.CompilerParams(use_tc_tiling_on_sc=False,
                                             needs_layout_passes=False),
    )
    return f(q, kv, idx_packed)


def _final_body(p_ref, o_ref):
    s = p_ref[0] + p_ref[1]
    den = s[:, HD:HD + H]
    r = jnp.where(den > 0.0, 1.0 / den, 0.0)
    for h in range(H):
        o_ref[:, h * D:(h + 1) * D] = s[:, h * D:(h + 1) * D] * r[:, h:h + 1]


def _finalize(partial):
    blk = 1000
    return pl.pallas_call(
        _final_body,
        grid=(N // blk,),
        in_specs=[pl.BlockSpec((NC, blk, ROW), lambda i: (0, i, 0))],
        out_specs=pl.BlockSpec((blk, HD), lambda i: (i, 0)),
        out_shape=jax.ShapeDtypeStruct((N, HD), jnp.float32),
    )(partial)


def kernel(h, edge_index, Wq, Wk, Wv):
    wkv = jnp.concatenate([Wk, Wv], axis=1)
    q, kv = _project(h, Wq, wkv)
    idx_packed = edge_index.reshape(2, E // B, B).transpose(1, 0, 2)
    partial = _edge_pass(q, kv, idx_packed)
    return _finalize(partial)

# --- scband reference (transcript-rebuilt; emitter-appended) ---
"""Pipeline reference for scband-multi-head-attention-layer-75453985456263 (READ-ONLY COPY).

The authoritative reference and input builder live on the scoring server;
editing this copy changes nothing except your own understanding.
"""

import jax, jax.numpy as jnp
import numpy as np

N = 10000
E = 320000
IN_DIM = 128
NUM_HEADS = 8
OUT_DIM = 16


def setup_inputs(seed: int = 0) -> dict:
    key = jax.random.key(seed)
    k1, k2, k3, k4, k5 = jax.random.split(key, 5)
    h = jax.random.normal(k1, (N, IN_DIM), dtype=jnp.float32)
    # graph connectivity: row 0 = src (u), row 1 = dst (v)
    edge_index = jax.random.randint(k2, (2, E), 0, N, dtype=jnp.int32)
    # linear projection weights (use_bias=False), stored as [in, out] for h @ W
    scale = 1.0 / np.sqrt(IN_DIM)
    Wq = jax.random.normal(k3, (IN_DIM, NUM_HEADS * OUT_DIM), dtype=jnp.float32) * scale
    Wk = jax.random.normal(k4, (IN_DIM, NUM_HEADS * OUT_DIM), dtype=jnp.float32) * scale
    Wv = jax.random.normal(k5, (IN_DIM, NUM_HEADS * OUT_DIM), dtype=jnp.float32) * scale
    return {"h": h, "edge_index": edge_index, "Wq": Wq, "Wk": Wk, "Wv": Wv}


def reference(h, edge_index, Wq, Wk, Wv):
    n = h.shape[0]
    Q_h = (h @ Wq).reshape(-1, NUM_HEADS, OUT_DIM)
    K_h = (h @ Wk).reshape(-1, NUM_HEADS, OUT_DIM)
    V_h = (h @ Wv).reshape(-1, NUM_HEADS, OUT_DIM)
    src = edge_index[0]
    dst = edge_index[1]
    # fn.u_mul_v('K', 'Q', 'score'): elementwise K[src] * Q[dst] per edge
    score = K_h[src] * Q_h[dst]                       # [E, H, D]
    score = score / np.sqrt(OUT_DIM)
    attn_score = jnp.sum(score, axis=-1, keepdims=True)  # [E, H, 1]
    attn_score = jnp.clip(attn_score, -5.0, 5.0)
    # edge_softmax: softmax over incoming edges of each dst node, per head
    seg_max = jax.ops.segment_max(attn_score, dst, num_segments=n)  # [N, H, 1]
    e = jnp.exp(attn_score - seg_max[dst])
    seg_sum = jax.ops.segment_sum(e, dst, num_segments=n)           # [N, H, 1]
    attn_weights = e / seg_sum[dst]                                 # [E, H, 1]
    # fn.u_mul_e('V', 'a', 'm') then fn.sum('m', 'wV'): scatter-add to dst
    m = V_h[src] * attn_weights                                     # [E, H, D]
    wV = jax.ops.segment_sum(m, dst, num_segments=n)                # [N, H, D]
    h_out = wV.reshape(-1, OUT_DIM * NUM_HEADS)
    return h_out

if __name__ == "__main__":
    import jax
    _d = setup_inputs()
    print(jax.jit(kernel)(*tuple(_d.values())))

</pallas_src>

<mosaic_0001>
#map = affine_map<(d0, d1) -> (0, 0)>
#map1 = affine_map<(d0, d1) -> (0, 0, 0)>
module attributes {stable_mosaic.version = 14 : i64} {
  func.func @_edge_body(%arg0: i32, %arg1: i32, %arg2: memref<10000x128xf32, #tpu.memory_space<hbm>>, %arg3: memref<10000x256xf32, #tpu.memory_space<hbm>>, %arg4: memref<4000x2x80xi32, #tpu.memory_space<hbm>>, %arg5: memref<2x10240x136xf32, #tpu.memory_space<hbm>>, %arg6: memref<2x80xi32, #tpu.memory_space<vmem>>, %arg7: memref<80x256xf32, #tpu.memory_space<vmem>>, %arg8: memref<80x128xf32, #tpu.memory_space<vmem>>, %arg9: memref<80x136xf32, #tpu.memory_space<vmem>>, %arg10: memref<10240x136xf32, #tpu.memory_space<vmem_shared>>, %arg11: memref<!tpu.dma_semaphore, #tpu.memory_space<semaphore_mem>>, %arg12: memref<!tpu.dma_semaphore, #tpu.memory_space<semaphore_mem>>) attributes {dimension_semantics = [#tpu.dimension_semantics<core_parallel>, #tpu.dimension_semantics<subcore_parallel>], iteration_bounds = array<i64: 2, 16>, scalar_prefetch = 0 : i64, scratch_operands = 7 : i64, tpu.core_type = #tpu.core_type<sc_vector_subcore>, window_params = [{transform_indices = #map}, {transform_indices = #map}, {transform_indices = #map1}, {transform_indices = #map1}]} {
    %mul3A = arith.constant 2 : i32
    %mul3A_0 = arith.muli %arg1, %mul3A : i32
    %add3A = arith.addi %mul3A_0, %arg0 : i32
    %mul3A_1 = arith.constant 125 : i32
    %mul3A_2 = arith.muli %add3A, %mul3A_1 : i32
    %iota3A = tpu.iota {dimensions = array<i32: 0>} : vector<16xi32>
    %scan3A = arith.constant 0 : i32
    %scan3A_3 = arith.constant 0 : i32
    %scan3A_4 = arith.constant 720 : i32
    %scan3A_5 = arith.addi %scan3A_3, %scan3A_4 : i32
    %scan3A_6 = arith.constant 1 : i32
    scf.for %scan3A_51 = %scan3A_3 to %scan3A_5 step %scan3A_6  : i32 {
      %jit3A = arith.constant 9 : i32
      %div3A = arith.divsi %scan3A_51, %jit3A : i32
      %sign3A = arith.constant 0 : i32
      %sign3A_52 = arith.cmpi sgt, %scan3A_51, %sign3A : i32
      %sign3A_53 = arith.extui %sign3A_52 : i1 to i32
      %sign3A_54 = arith.constant 0 : i32
      %sign3A_55 = arith.cmpi slt, %scan3A_51, %sign3A_54 : i32
      %sign3A_56 = arith.extui %sign3A_55 : i1 to i32
      %sign3A_57 = arith.subi %sign3A_53, %sign3A_56 : i32
      %sign3A_58 = arith.constant 0 : i32
      %sign3A_59 = arith.cmpi sgt, %jit3A, %sign3A_58 : i32
      %sign3A_60 = arith.extui %sign3A_59 : i1 to i32
      %sign3A_61 = arith.constant 0 : i32
      %sign3A_62 = arith.cmpi slt, %jit3A, %sign3A_61 : i32
      %sign3A_63 = arith.extui %sign3A_62 : i1 to i32
      %sign3A_64 = arith.subi %sign3A_60, %sign3A_63 : i32
      %ne3A = arith.cmpi ne, %sign3A_57, %sign3A_64 : i32
      %rem3A = arith.remsi %scan3A_51, %jit3A : i32
      %ne3A_65 = arith.constant 0 : i32
      %ne3A_66 = arith.cmpi ne, %rem3A, %ne3A_65 : i32
      %and3A = arith.andi %ne3A, %ne3A_66 : i1
      %sub3A = arith.constant 1 : i32
      %sub3A_67 = arith.subi %div3A, %sub3A : i32
      %select_n3A = arith.select %and3A, %sub3A_67, %div3A : i32
      %jit3A_68 = arith.constant 9 : i32
      %eq3A = arith.constant 0 : i32
      %eq3A_69 = arith.cmpi eq, %jit3A_68, %eq3A : i32
      %jit3A_70 = arith.constant 1 : i32
      %select_n3A_71 = arith.select %eq3A_69, %jit3A_70, %jit3A_68 : i32
      %rem3A_72 = arith.remsi %scan3A_51, %select_n3A_71 : i32
      %ne3A_73 = arith.constant 0 : i32
      %ne3A_74 = arith.cmpi ne, %rem3A_72, %ne3A_73 : i32
      %lt3A = arith.constant 0 : i32
      %lt3A_75 = arith.cmpi slt, %rem3A_72, %lt3A : i32
      %lt3A_76 = arith.constant 0 : i32
      %lt3A_77 = arith.cmpi slt, %select_n3A_71, %lt3A_76 : i32
      %ne3A_78 = arith.xori %lt3A_75, %lt3A_77 : i1
      %and3A_79 = arith.andi %ne3A_78, %ne3A_74 : i1
      %add3A_80 = arith.addi %rem3A_72, %select_n3A_71 : i32
      %select_n3A_81 = arith.select %and3A_79, %add3A_80, %rem3A_72 : i32
      %mul3A_82 = arith.constant 16 : i32
      %mul3A_83 = arith.muli %select_n3A_81, %mul3A_82 : i32
      %min3A = arith.constant 120 : i32
      %min3A_84 = arith.minsi %mul3A_83, %min3A : i32
      %broadcast_in_dim3A = arith.constant 0.000000e+00 : f32
      %broadcast_in_dim3A_85 = vector.broadcast %broadcast_in_dim3A : f32 to vector<16xf32>
      %swap3A = arith.index_cast %select_n3A : i32 to index
      %swap3A_86 = arith.index_cast %min3A_84 : i32 to index
      %swap3A_87 = tpu.vector_load %arg9[%swap3A, %swap3A_86] {strides = array<i32>} : memref<80x136xf32, #tpu.memory_space<vmem>>, vector<16xf32>,
      tpu.vector_store %arg9[%swap3A, %swap3A_86], %broadcast_in_dim3A_85 {strides = array<i32>} : memref<80x136xf32, #tpu.memory_space<vmem>>, vector<16xf32>,
    }
    %scan3A_7 = arith.constant 720 : i32
    %mul3A_8 = arith.constant 640 : i32
    %mul3A_9 = arith.muli %arg1, %mul3A_8 : i32
    %add3A_10 = arith.constant 0 : i32
    %add3A_11 = arith.addi %mul3A_9, %add3A_10 : i32
    "tpu.region"() ({
      %run_scoped3A = tpu.sem_alloc : memref<!tpu.dma_semaphore, #tpu.memory_space<semaphore_mem>>
      %dma_start3A = arith.constant 0 : i32
      %dma_start3A_51 = tpu.memref_slice %arg10[%add3A_11, %dma_start3A] : memref<10240x136xf32, #tpu.memory_space<vmem_shared>> -> memref<80x136xf32, #tpu.memory_space<vmem_shared>>
      %dma_start3A_52 = arith.constant 0 : i32
      %dma_start3A_53 = tpu.memref_slice %arg10[%add3A_11, %dma_start3A_52] : memref<10240x136xf32, #tpu.memory_space<vmem_shared>> -> memref<80x136xf32, #tpu.memory_space<vmem_shared>>
      tpu.enqueue_dma source(%arg9 : memref<80x136xf32, #tpu.memory_space<vmem>>) target(%dma_start3A_53 : memref<80x136xf32, #tpu.memory_space<vmem_shared>>) target_semaphore(%run_scoped3A : memref<!tpu.dma_semaphore, #tpu.memory_space<semaphore_mem>>)
      %dma_wait3A = arith.constant 0 : i32
      %dma_wait3A_54 = tpu.memref_slice %arg10[%add3A_11, %dma_wait3A] : memref<10240x136xf32, #tpu.memory_space<vmem_shared>> -> memref<80x136xf32, #tpu.memory_space<vmem_shared>>
      %dma_wait3A_55 = arith.constant 0 : i32
      %dma_wait3A_56 = tpu.memref_slice %arg10[%add3A_11, %dma_wait3A_55] : memref<10240x136xf32, #tpu.memory_space<vmem_shared>> -> memref<80x136xf32, #tpu.memory_space<vmem_shared>>
      tpu.wait_dma2 semaphore(%run_scoped3A : memref<!tpu.dma_semaphore, #tpu.memory_space<semaphore_mem>>) src(%arg9 : memref<80x136xf32, #tpu.memory_space<vmem>>) dst(%dma_wait3A_56 : memref<80x136xf32, #tpu.memory_space<vmem_shared>>)
      tpu.yield
    }) : () -> ()
    %mul3A_12 = arith.constant 640 : i32
    %mul3A_13 = arith.muli %arg1, %mul3A_12 : i32
    %add3A_14 = arith.constant 80 : i32
    %add3A_15 = arith.addi %mul3A_13, %add3A_14 : i32
    "tpu.region"() ({
      %run_scoped3A = tpu.sem_alloc : memref<!tpu.dma_semaphore, #tpu.memory_space<semaphore_mem>>
      %dma_start3A = arith.constant 0 : i32
      %dma_start3A_51 = tpu.memref_slice %arg10[%add3A_15, %dma_start3A] : memref<10240x136xf32, #tpu.memory_space<vmem_shared>> -> memref<80x136xf32, #tpu.memory_space<vmem_shared>>
      %dma_start3A_52 = arith.constant 0 : i32
      %dma_start3A_53 = tpu.memref_slice %arg10[%add3A_15, %dma_start3A_52] : memref<10240x136xf32, #tpu.memory_space<vmem_shared>> -> memref<80x136xf32, #tpu.memory_space<vmem_shared>>
      tpu.enqueue_dma source(%arg9 : memref<80x136xf32, #tpu.memory_space<vmem>>) target(%dma_start3A_53 : memref<80x136xf32, #tpu.memory_space<vmem_shared>>) target_semaphore(%run_scoped3A : memref<!tpu.dma_semaphore, #tpu.memory_space<semaphore_mem>>)
      %dma_wait3A = arith.constant 0 : i32
      %dma_wait3A_54 = tpu.memref_slice %arg10[%add3A_15, %dma_wait3A] : memref<10240x136xf32, #tpu.memory_space<vmem_shared>> -> memref<80x136xf32, #tpu.memory_space<vmem_shared>>
      %dma_wait3A_55 = arith.constant 0 : i32
      %dma_wait3A_56 = tpu.memref_slice %arg10[%add3A_15, %dma_wait3A_55] : memref<10240x136xf32, #tpu.memory_space<vmem_shared>> -> memref<80x136xf32, #tpu.memory_space<vmem_shared>>
      tpu.wait_dma2 semaphore(%run_scoped3A : memref<!tpu.dma_semaphore, #tpu.memory_space<semaphore_mem>>) src(%arg9 : memref<80x136xf32, #tpu.memory_space<vmem>>) dst(%dma_wait3A_56 : memref<80x136xf32, #tpu.memory_space<vmem_shared>>)
      tpu.yield
    }) : () -> ()
    %mul3A_16 = arith.constant 640 : i32
    %mul3A_17 = arith.muli %arg1, %mul3A_16 : i32
    %add3A_18 = arith.constant 160 : i32
    %add3A_19 = arith.addi %mul3A_17, %add3A_18 : i32
    "tpu.region"() ({
      %run_scoped3A = tpu.sem_alloc : memref<!tpu.dma_semaphore, #tpu.memory_space<semaphore_mem>>
      %dma_start3A = arith.constant 0 : i32
      %dma_start3A_51 = tpu.memref_slice %arg10[%add3A_19, %dma_start3A] : memref<10240x136xf32, #tpu.memory_space<vmem_shared>> -> memref<80x136xf32, #tpu.memory_space<vmem_shared>>
      %dma_start3A_52 = arith.constant 0 : i32
      %dma_start3A_53 = tpu.memref_slice %arg10[%add3A_19, %dma_start3A_52] : memref<10240x136xf32, #tpu.memory_space<vmem_shared>> -> memref<80x136xf32, #tpu.memory_space<vmem_shared>>
      tpu.enqueue_dma source(%arg9 : memref<80x136xf32, #tpu.memory_space<vmem>>) target(%dma_start3A_53 : memref<80x136xf32, #tpu.memory_space<vmem_shared>>) target_semaphore(%run_scoped3A : memref<!tpu.dma_semaphore, #tpu.memory_space<semaphore_mem>>)
      %dma_wait3A = arith.constant 0 : i32
      %dma_wait3A_54 = tpu.memref_slice %arg10[%add3A_19, %dma_wait3A] : memref<10240x136xf32, #tpu.memory_space<vmem_shared>> -> memref<80x136xf32, #tpu.memory_space<vmem_shared>>
      %dma_wait3A_55 = arith.constant 0 : i32
      %dma_wait3A_56 = tpu.memref_slice %arg10[%add3A_19, %dma_wait3A_55] : memref<10240x136xf32, #tpu.memory_space<vmem_shared>> -> memref<80x136xf32, #tpu.memory_space<vmem_shared>>
      tpu.wait_dma2 semaphore(%run_scoped3A : memref<!tpu.dma_semaphore, #tpu.memory_space<semaphore_mem>>) src(%arg9 : memref<80x136xf32, #tpu.memory_space<vmem>>) dst(%dma_wait3A_56 : memref<80x136xf32, #tpu.memory_space<vmem_shared>>)
      tpu.yield
    }) : () -> ()
    %mul3A_20 = arith.constant 640 : i32
    %mul3A_21 = arith.muli %arg1, %mul3A_20 : i32
    %add3A_22 = arith.constant 240 : i32
    %add3A_23 = arith.addi %mul3A_21, %add3A_22 : i32
    "tpu.region"() ({
      %run_scoped3A = tpu.sem_alloc : memref<!tpu.dma_semaphore, #tpu.memory_space<semaphore_mem>>
      %dma_start3A = arith.constant 0 : i32
      %dma_start3A_51 = tpu.memref_slice %arg10[%add3A_23, %dma_start3A] : memref<10240x136xf32, #tpu.memory_space<vmem_shared>> -> memref<80x136xf32, #tpu.memory_space<vmem_shared>>
      %dma_start3A_52 = arith.constant 0 : i32
      %dma_start3A_53 = tpu.memref_slice %arg10[%add3A_23, %dma_start3A_52] : memref<10240x136xf32, #tpu.memory_space<vmem_shared>> -> memref<80x136xf32, #tpu.memory_space<vmem_shared>>
      tpu.enqueue_dma source(%arg9 : memref<80x136xf32, #tpu.memory_space<vmem>>) target(%dma_start3A_53 : memref<80x136xf32, #tpu.memory_space<vmem_shared>>) target_semaphore(%run_scoped3A : memref<!tpu.dma_semaphore, #tpu.memory_space<semaphore_mem>>)
      %dma_wait3A = arith.constant 0 : i32
      %dma_wait3A_54 = tpu.memref_slice %arg10[%add3A_23, %dma_wait3A] : memref<10240x136xf32, #tpu.memory_space<vmem_shared>> -> memref<80x136xf32, #tpu.memory_space<vmem_shared>>
      %dma_wait3A_55 = arith.constant 0 : i32
      %dma_wait3A_56 = tpu.memref_slice %arg10[%add3A_23, %dma_wait3A_55] : memref<10240x136xf32, #tpu.memory_space<vmem_shared>> -> memref<80x136xf32, #tpu.memory_space<vmem_shared>>
      tpu.wait_dma2 semaphore(%run_scoped3A : memref<!tpu.dma_semaphore, #tpu.memory_space<semaphore_mem>>) src(%arg9 : memref<80x136xf32, #tpu.memory_space<vmem>>) dst(%dma_wait3A_56 : memref<80x136xf32, #tpu.memory_space<vmem_shared>>)
      tpu.yield
    }) : () -> ()
    %mul3A_24 = arith.constant 640 : i32
    %mul3A_25 = arith.muli %arg1, %mul3A_24 : i32
    %add3A_26 = arith.constant 320 : i32
    %add3A_27 = arith.addi %mul3A_25, %add3A_26 : i32
    "tpu.region"() ({
      %run_scoped3A = tpu.sem_alloc : memref<!tpu.dma_semaphore, #tpu.memory_space<semaphore_mem>>
      %dma_start3A = arith.constant 0 : i32
      %dma_start3A_51 = tpu.memref_slice %arg10[%add3A_27, %dma_start3A] : memref<10240x136xf32, #tpu.memory_space<vmem_shared>> -> memref<80x136xf32, #tpu.memory_space<vmem_shared>>
      %dma_start3A_52 = arith.constant 0 : i32
      %dma_start3A_53 = tpu.memref_slice %arg10[%add3A_27, %dma_start3A_52] : memref<10240x136xf32, #tpu.memory_space<vmem_shared>> -> memref<80x136xf32, #tpu.memory_space<vmem_shared>>
      tpu.enqueue_dma source(%arg9 : memref<80x136xf32, #tpu.memory_space<vmem>>) target(%dma_start3A_53 : memref<80x136xf32, #tpu.memory_space<vmem_shared>>) target_semaphore(%run_scoped3A : memref<!tpu.dma_semaphore, #tpu.memory_space<semaphore_mem>>)
      %dma_wait3A = arith.constant 0 : i32
      %dma_wait3A_54 = tpu.memref_slice %arg10[%add3A_27, %dma_wait3A] : memref<10240x136xf32, #tpu.memory_space<vmem_shared>> -> memref<80x136xf32, #tpu.memory_space<vmem_shared>>
      %dma_wait3A_55 = arith.constant 0 : i32
      %dma_wait3A_56 = tpu.memref_slice %arg10[%add3A_27, %dma_wait3A_55] : memref<10240x136xf32, #tpu.memory_space<vmem_shared>> -> memref<80x136xf32, #tpu.memory_space<vmem_shared>>
      tpu.wait_dma2 semaphore(%run_scoped3A : memref<!tpu.dma_semaphore, #tpu.memory_space<semaphore_mem>>) src(%arg9 : memref<80x136xf32, #tpu.memory_space<vmem>>) dst(%dma_wait3A_56 : memref<80x136xf32, #tpu.memory_space<vmem_shared>>)
      tpu.yield
    }) : () -> ()
    %mul3A_28 = arith.constant 640 : i32
    %mul3A_29 = arith.muli %arg1, %mul3A_28 : i32
    %add3A_30 = arith.constant 400 : i32
    %add3A_31 = arith.addi %mul3A_29, %add3A_30 : i32
    "tpu.region"() ({
      %run_scoped3A = tpu.sem_alloc : memref<!tpu.dma_semaphore, #tpu.memory_space<semaphore_mem>>
      %dma_start3A = arith.constant 0 : i32
      %dma_start3A_51 = tpu.memref_slice %arg10[%add3A_31, %dma_start3A] : memref<10240x136xf32, #tpu.memory_space<vmem_shared>> -> memref<80x136xf32, #tpu.memory_space<vmem_shared>>
      %dma_start3A_52 = arith.constant 0 : i32
      %dma_start3A_53 = tpu.memref_slice %arg10[%add3A_31, %dma_start3A_52] : memref<10240x136xf32, #tpu.memory_space<vmem_shared>> -> memref<80x136xf32, #tpu.memory_space<vmem_shared>>
      tpu.enqueue_dma source(%arg9 : memref<80x136xf32, #tpu.memory_space<vmem>>) target(%dma_start3A_53 : memref<80x136xf32, #tpu.memory_space<vmem_shared>>) target_semaphore(%run_scoped3A : memref<!tpu.dma_semaphore, #tpu.memory_space<semaphore_mem>>)
      %dma_wait3A = arith.constant 0 : i32
      %dma_wait3A_54 = tpu.memref_slice %arg10[%add3A_31, %dma_wait3A] : memref<10240x136xf32, #tpu.memory_space<vmem_shared>> -> memref<80x136xf32, #tpu.memory_space<vmem_shared>>
      %dma_wait3A_55 = arith.constant 0 : i32
      %dma_wait3A_56 = tpu.memref_slice %arg10[%add3A_31, %dma_wait3A_55] : memref<10240x136xf32, #tpu.memory_space<vmem_shared>> -> memref<80x136xf32, #tpu.memory_space<vmem_shared>>
      tpu.wait_dma2 semaphore(%run_scoped3A : memref<!tpu.dma_semaphore, #tpu.memory_space<semaphore_mem>>) src(%arg9 : memref<80x136xf32, #tpu.memory_space<vmem>>) dst(%dma_wait3A_56 : memref<80x136xf32, #tpu.memory_space<vmem_shared>>)
      tpu.yield
    }) : () -> ()
    %mul3A_32 = arith.constant 640 : i32
    %mul3A_33 = arith.muli %arg1, %mul3A_32 : i32
    %add3A_34 = arith.constant 480 : i32
    %add3A_35 = arith.addi %mul3A_33, %add3A_34 : i32
    "tpu.region"() ({
      %run_scoped3A = tpu.sem_alloc : memref<!tpu.dma_semaphore, #tpu.memory_space<semaphore_mem>>
      %dma_start3A = arith.constant 0 : i32
      %dma_start3A_51 = tpu.memref_slice %arg10[%add3A_35, %dma_start3A] : memref<10240x136xf32, #tpu.memory_space<vmem_shared>> -> memref<80x136xf32, #tpu.memory_space<vmem_shared>>
      %dma_start3A_52 = arith.constant 0 : i32
      %dma_start3A_53 = tpu.memref_slice %arg10[%add3A_35, %dma_start3A_52] : memref<10240x136xf32, #tpu.memory_space<vmem_shared>> -> memref<80x136xf32, #tpu.memory_space<vmem_shared>>
      tpu.enqueue_dma source(%arg9 : memref<80x136xf32, #tpu.memory_space<vmem>>) target(%dma_start3A_53 : memref<80x136xf32, #tpu.memory_space<vmem_shared>>) target_semaphore(%run_scoped3A : memref<!tpu.dma_semaphore, #tpu.memory_space<semaphore_mem>>)
      %dma_wait3A = arith.constant 0 : i32
      %dma_wait3A_54 = tpu.memref_slice %arg10[%add3A_35, %dma_wait3A] : memref<10240x136xf32, #tpu.memory_space<vmem_shared>> -> memref<80x136xf32, #tpu.memory_space<vmem_shared>>
      %dma_wait3A_55 = arith.constant 0 : i32
      %dma_wait3A_56 = tpu.memref_slice %arg10[%add3A_35, %dma_wait3A_55] : memref<10240x136xf32, #tpu.memory_space<vmem_shared>> -> memref<80x136xf32, #tpu.memory_space<vmem_shared>>
      tpu.wait_dma2 semaphore(%run_scoped3A : memref<!tpu.dma_semaphore, #tpu.memory_space<semaphore_mem>>) src(%arg9 : memref<80x136xf32, #tpu.memory_space<vmem>>) dst(%dma_wait3A_56 : memref<80x136xf32, #tpu.memory_space<vmem_shared>>)
      tpu.yield
    }) : () -> ()
    %mul3A_36 = arith.constant 640 : i32
    %mul3A_37 = arith.muli %arg1, %mul3A_36 : i32
    %add3A_38 = arith.constant 560 : i32
    %add3A_39 = arith.addi %mul3A_37, %add3A_38 : i32
    "tpu.region"() ({
      %run_scoped3A = tpu.sem_alloc : memref<!tpu.dma_semaphore, #tpu.memory_space<semaphore_mem>>
      %dma_start3A = arith.constant 0 : i32
      %dma_start3A_51 = tpu.memref_slice %arg10[%add3A_39, %dma_start3A] : memref<10240x136xf32, #tpu.memory_space<vmem_shared>> -> memref<80x136xf32, #tpu.memory_space<vmem_shared>>
      %dma_start3A_52 = arith.constant 0 : i32
      %dma_start3A_53 = tpu.memref_slice %arg10[%add3A_39, %dma_start3A_52] : memref<10240x136xf32, #tpu.memory_space<vmem_shared>> -> memref<80x136xf32, #tpu.memory_space<vmem_shared>>
      tpu.enqueue_dma source(%arg9 : memref<80x136xf32, #tpu.memory_space<vmem>>) target(%dma_start3A_53 : memref<80x136xf32, #tpu.memory_space<vmem_shared>>) target_semaphore(%run_scoped3A : memref<!tpu.dma_semaphore, #tpu.memory_space<semaphore_mem>>)
      %dma_wait3A = arith.constant 0 : i32
      %dma_wait3A_54 = tpu.memref_slice %arg10[%add3A_39, %dma_wait3A] : memref<10240x136xf32, #tpu.memory_space<vmem_shared>> -> memref<80x136xf32, #tpu.memory_space<vmem_shared>>
      %dma_wait3A_55 = arith.constant 0 : i32
      %dma_wait3A_56 = tpu.memref_slice %arg10[%add3A_39, %dma_wait3A_55] : memref<10240x136xf32, #tpu.memory_space<vmem_shared>> -> memref<80x136xf32, #tpu.memory_space<vmem_shared>>
      tpu.wait_dma2 semaphore(%run_scoped3A : memref<!tpu.dma_semaphore, #tpu.memory_space<semaphore_mem>>) src(%arg9 : memref<80x136xf32, #tpu.memory_space<vmem>>) dst(%dma_wait3A_56 : memref<80x136xf32, #tpu.memory_space<vmem_shared>>)
      tpu.yield
    }) : () -> ()
    %barrier3A = arith.constant 0 : index
    tpu.barrier barrier_id(%barrier3A)
    %scan3A_40 = arith.constant 0 : i32
    %scan3A_41 = arith.constant 0 : i32
    %scan3A_42 = arith.constant 125 : i32
    %scan3A_43 = arith.addi %scan3A_41, %scan3A_42 : i32
    %scan3A_44 = arith.constant 1 : i32
    scf.for %scan3A_51 = %scan3A_41 to %scan3A_43 step %scan3A_44  : i32 {
      %add3A_52 = arith.addi %mul3A_2, %scan3A_51 : i32
      "tpu.region"() ({
        %run_scoped3A_81 = tpu.sem_alloc : memref<!tpu.dma_semaphore, #tpu.memory_space<semaphore_mem>>
        %dma_start3A_82 = arith.constant 0 : i32
        %dma_start3A_83 = arith.constant 0 : i32
        %dma_start3A_84 = tpu.memref_slice %arg4[%add3A_52, %dma_start3A_82, %dma_start3A_83] : memref<4000x2x80xi32, #tpu.memory_space<hbm>> -> memref<1x2x80xi32, #tpu.memory_space<hbm>>
        %dma_start3A_85 = tpu.memref_squeeze %dma_start3A_84 : memref<1x2x80xi32, #tpu.memory_space<hbm>> -> memref<2x80xi32, #tpu.memory_space<hbm>>
        %dma_start3A_86 = arith.constant 0 : i32
        %dma_start3A_87 = arith.constant 0 : i32
        %dma_start3A_88 = tpu.memref_slice %arg4[%add3A_52, %dma_start3A_86, %dma_start3A_87] : memref<4000x2x80xi32, #tpu.memory_space<hbm>> -> memref<1x2x80xi32, #tpu.memory_space<hbm>>
        %dma_start3A_89 = tpu.memref_squeeze %dma_start3A_88 : memref<1x2x80xi32, #tpu.memory_space<hbm>> -> memref<2x80xi32, #tpu.memory_space<hbm>>
        tpu.enqueue_dma source(%dma_start3A_89 : memref<2x80xi32, #tpu.memory_space<hbm>>) target(%arg6 : memref<2x80xi32, #tpu.memory_space<vmem>>) target_semaphore(%run_scoped3A_81 : memref<!tpu.dma_semaphore, #tpu.memory_space<semaphore_mem>>)
        %dma_wait3A_90 = arith.constant 0 : i32
        %dma_wait3A_91 = arith.constant 0 : i32
        %dma_wait3A_92 = tpu.memref_slice %arg4[%add3A_52, %dma_wait3A_90, %dma_wait3A_91] : memref<4000x2x80xi32, #tpu.memory_space<hbm>> -> memref<1x2x80xi32, #tpu.memory_space<hbm>>
        %dma_wait3A_93 = tpu.memref_squeeze %dma_wait3A_92 : memref<1x2x80xi32, #tpu.memory_space<hbm>> -> memref<2x80xi32, #tpu.memory_space<hbm>>
        %dma_wait3A_94 = arith.constant 0 : i32
        %dma_wait3A_95 = arith.constant 0 : i32
        %dma_wait3A_96 = tpu.memref_slice %arg4[%add3A_52, %dma_wait3A_94, %dma_wait3A_95] : memref<4000x2x80xi32, #tpu.memory_space<hbm>> -> memref<1x2x80xi32, #tpu.memory_space<hbm>>
        %dma_wait3A_97 = tpu.memref_squeeze %dma_wait3A_96 : memref<1x2x80xi32, #tpu.memory_space<hbm>> -> memref<2x80xi32, #tpu.memory_space<hbm>>
        tpu.wait_dma2 semaphore(%run_scoped3A_81 : memref<!tpu.dma_semaphore, #tpu.memory_space<semaphore_mem>>) src(%dma_wait3A_97 : memref<2x80xi32, #tpu.memory_space<hbm>>) dst(%arg6 : memref<2x80xi32, #tpu.memory_space<vmem>>)
        tpu.yield
      }) : () -> ()
      %dma_start3A = arith.constant 0 : i32
      %dma_start3A_53 = arith.constant 0 : i32
      %dma_start3A_54 = tpu.memref_slice %arg6[%dma_start3A, %dma_start3A_53] : memref<2x80xi32, #tpu.memory_space<vmem>> -> memref<1x80xi32, #tpu.memory_space<vmem>>
      %dma_start3A_55 = tpu.memref_squeeze %dma_start3A_54 : memref<1x80xi32, #tpu.memory_space<vmem>> -> memref<80xi32, #tpu.memory_space<vmem>>
      %dma_start3A_56 = arith.constant 0 : i32
      %dma_start3A_57 = arith.constant 0 : i32
      %dma_start3A_58 = tpu.memref_slice %arg3[%dma_start3A_56, %dma_start3A_57] : memref<10000x256xf32, #tpu.memory_space<hbm>> -> memref<10000x256xf32, #tpu.memory_space<hbm>>
      tpu.enqueue_indirect_dma source(%dma_start3A_58 : memref<10000x256xf32, #tpu.memory_space<hbm>>) target(%arg7 : memref<80x256xf32, #tpu.memory_space<vmem>>) offsets(%dma_start3A_55 : memref<80xi32, #tpu.memory_space<vmem>>) semaphore(%arg11 : memref<!tpu.dma_semaphore, #tpu.memory_space<semaphore_mem>>)
      %dma_start3A_59 = arith.constant 1 : i32
      %dma_start3A_60 = arith.constant 0 : i32
      %dma_start3A_61 = tpu.memref_slice %arg6[%dma_start3A_59, %dma_start3A_60] : memref<2x80xi32, #tpu.memory_space<vmem>> -> memref<1x80xi32, #tpu.memory_space<vmem>>
      %dma_start3A_62 = tpu.memref_squeeze %dma_start3A_61 : memref<1x80xi32, #tpu.memory_space<vmem>> -> memref<80xi32, #tpu.memory_space<vmem>>
      %dma_start3A_63 = arith.constant 0 : i32
      %dma_start3A_64 = arith.constant 0 : i32
      %dma_start3A_65 = tpu.memref_slice %arg2[%dma_start3A_63, %dma_start3A_64] : memref<10000x128xf32, #tpu.memory_space<hbm>> -> memref<10000x128xf32, #tpu.memory_space<hbm>>
      tpu.enqueue_indirect_dma source(%dma_start3A_65 : memref<10000x128xf32, #tpu.memory_space<hbm>>) target(%arg8 : memref<80x128xf32, #tpu.memory_space<vmem>>) offsets(%dma_start3A_62 : memref<80xi32, #tpu.memory_space<vmem>>) semaphore(%arg12 : memref<!tpu.dma_semaphore, #tpu.memory_space<semaphore_mem>>)
      %dma_wait3A = arith.constant 0 : i32
      %dma_wait3A_66 = arith.constant 0 : i32
      %dma_wait3A_67 = tpu.memref_slice %arg6[%dma_wait3A, %dma_wait3A_66] : memref<2x80xi32, #tpu.memory_space<vmem>> -> memref<1x80xi32, #tpu.memory_space<vmem>>
      %dma_wait3A_68 = tpu.memref_squeeze %dma_wait3A_67 : memref<1x80xi32, #tpu.memory_space<vmem>> -> memref<80xi32, #tpu.memory_space<vmem>>
      %dma_wait3A_69 = arith.constant 0 : i32
      %dma_wait3A_70 = arith.constant 0 : i32
      %dma_wait3A_71 = tpu.memref_slice %arg3[%dma_wait3A_69, %dma_wait3A_70] : memref<10000x256xf32, #tpu.memory_space<hbm>> -> memref<10000x256xf32, #tpu.memory_space<hbm>>
      tpu.wait_indirect_dma semaphore(%arg11 : memref<!tpu.dma_semaphore, #tpu.memory_space<semaphore_mem>>) src(%dma_wait3A_71 : memref<10000x256xf32, #tpu.memory_space<hbm>>) dst(%arg7 : memref<80x256xf32, #tpu.memory_space<vmem>>)
      %dma_wait3A_72 = arith.constant 1 : i32
      %dma_wait3A_73 = arith.constant 0 : i32
      %dma_wait3A_74 = tpu.memref_slice %arg6[%dma_wait3A_72, %dma_wait3A_73] : memref<2x80xi32, #tpu.memory_space<vmem>> -> memref<1x80xi32, #tpu.memory_space<vmem>>
      %dma_wait3A_75 = tpu.memref_squeeze %dma_wait3A_74 : memref<1x80xi32, #tpu.memory_space<vmem>> -> memref<80xi32, #tpu.memory_space<vmem>>
      %dma_wait3A_76 = arith.constant 0 : i32
      %dma_wait3A_77 = arith.constant 0 : i32
      %dma_wait3A_78 = tpu.memref_slice %arg2[%dma_wait3A_76, %dma_wait3A_77] : memref<10000x128xf32, #tpu.memory_space<hbm>> -> memref<10000x128xf32, #tpu.memory_space<hbm>>
      tpu.wait_indirect_dma semaphore(%arg12 : memref<!tpu.dma_semaphore, #tpu.memory_space<semaphore_mem>>) src(%dma_wait3A_78 : memref<10000x128xf32, #tpu.memory_space<hbm>>) dst(%arg8 : memref<80x128xf32, #tpu.memory_space<vmem>>)
      %parallel_loop3A = arith.constant 0 : i32
      %parallel_loop3A_79 = arith.constant 5 : i32
      %parallel_loop3A_80 = arith.constant 1 : i32
      scf.for %parallel_loop3A_81 = %parallel_loop3A to %parallel_loop3A_79 step %parallel_loop3A_80  : i32 {
        %parallel_loop3A_82 = arith.constant 16 : i32
        %parallel_loop3A_83 = arith.muli %parallel_loop3A_81, %parallel_loop3A_82 : i32
        %parallel_loop3A_84 = vector.broadcast %parallel_loop3A_83 : i32 to vector<16xi32>
        %parallel_loop3A_85 = arith.addi %parallel_loop3A_84, %iota3A : vector<16xi32>
        %parallel_loop3A_86 = arith.constant 0.000000e+00 : f32
        %parallel_loop3A_87 = vector.broadcast %parallel_loop3A_86 : f32 to vector<16xf32>
        %parallel_loop3A_88 = arith.constant 0.000000e+00 : f32
        %parallel_loop3A_89 = vector.broadcast %parallel_loop3A_88 : f32 to vector<16xf32>
        %parallel_loop3A_90 = arith.constant 0.000000e+00 : f32
        %parallel_loop3A_91 = vector.broadcast %parallel_loop3A_90 : f32 to vector<16xf32>
        %parallel_loop3A_92 = arith.constant 0.000000e+00 : f32
        %parallel_loop3A_93 = vector.broadcast %parallel_loop3A_92 : f32 to vector<16xf32>
        %parallel_loop3A_94 = arith.constant 0.000000e+00 : f32
        %parallel_loop3A_95 = vector.broadcast %parallel_loop3A_94 : f32 to vector<16xf32>
        %parallel_loop3A_96 = arith.constant 0.000000e+00 : f32
        %parallel_loop3A_97 = vector.broadcast %parallel_loop3A_96 : f32 to vector<16xf32>
        %parallel_loop3A_98 = arith.constant 0.000000e+00 : f32
        %parallel_loop3A_99 = vector.broadcast %parallel_loop3A_98 : f32 to vector<16xf32>
        %parallel_loop3A_100 = arith.constant 0.000000e+00 : f32
        %parallel_loop3A_101 = vector.broadcast %parallel_loop3A_100 : f32 to vector<16xf32>
        %parallel_loop3A_102 = arith.constant 0 : i32
        %parallel_loop3A_103 = arith.constant 4 : i32
        %parallel_loop3A_104 = arith.constant 1 : i32
        %parallel_loop3A_105:8 = scf.for %parallel_loop3A_205 = %parallel_loop3A_102 to %parallel_loop3A_103 step %parallel_loop3A_104 iter_args(%parallel_loop3A_206 = %parallel_loop3A_87, %parallel_loop3A_207 = %parallel_loop3A_89, %parallel_loop3A_208 = %parallel_loop3A_91, %parallel_loop3A_209 = %parallel_loop3A_93, %parallel_loop3A_210 = %parallel_loop3A_95, %parallel_loop3A_211 = %parallel_loop3A_97, %parallel_loop3A_212 = %parallel_loop3A_99, %parallel_loop3A_213 = %parallel_loop3A_101) -> (vector<16xf32>, vector<16xf32>, vector<16xf32>, vector<16xf32>, vector<16xf32>, vector<16xf32>, vector<16xf32>, vector<16xf32>)  : i32 {
          %parallel_loop3A_214 = arith.constant 4 : i32
          %parallel_loop3A_215 = arith.muli %parallel_loop3A_205, %parallel_loop3A_214 : i32
          %parallel_loop3A_216 = arith.constant 0 : i32
          %parallel_loop3A_217 = arith.addi %parallel_loop3A_215, %parallel_loop3A_216 : i32
          %parallel_loop3A_218 = vector.broadcast %parallel_loop3A_217 : i32 to vector<16xi32>
          %parallel_loop3A_219 = arith.addi %iota3A, %parallel_loop3A_218 : vector<16xi32>
          %parallel_loop3A_220 = arith.constant 15 : i32
          %parallel_loop3A_221 = vector.broadcast %parallel_loop3A_220 : i32 to vector<16xi32>
          %parallel_loop3A_222 = arith.andi %parallel_loop3A_219, %parallel_loop3A_221 : vector<16xi32>
          %parallel_loop3A_223 = arith.constant 0 : i32
          %parallel_loop3A_224 = vector.broadcast %parallel_loop3A_223 : i32 to vector<16xi32>
          %parallel_loop3A_225 = arith.addi %parallel_loop3A_222, %parallel_loop3A_224 : vector<16xi32>
          %parallel_loop3A_226 = tpu.vector_load_idx %arg7[%parallel_loop3A_85, %parallel_loop3A_225] : memref<80x256xf32, #tpu.memory_space<vmem>>[vector<16xi32>, vector<16xi32>], vector<16xf32>,
          %parallel_loop3A_227 = tpu.vector_load_idx %arg8[%parallel_loop3A_85, %parallel_loop3A_225] : memref<80x128xf32, #tpu.memory_space<vmem>>[vector<16xi32>, vector<16xi32>], vector<16xf32>,
          %parallel_loop3A_228 = arith.mulf %parallel_loop3A_226, %parallel_loop3A_227 : vector<16xf32>
          %parallel_loop3A_229 = arith.addf %parallel_loop3A_206, %parallel_loop3A_228 : vector<16xf32>
          %parallel_loop3A_230 = arith.constant 16 : i32
          %parallel_loop3A_231 = vector.broadcast %parallel_loop3A_230 : i32 to vector<16xi32>
          %parallel_loop3A_232 = arith.addi %parallel_loop3A_222, %parallel_loop3A_231 : vector<16xi32>
          %parallel_loop3A_233 = tpu.vector_load_idx %arg7[%parallel_loop3A_85, %parallel_loop3A_232] : memref<80x256xf32, #tpu.memory_space<vmem>>[vector<16xi32>, vector<16xi32>], vector<16xf32>,
          %parallel_loop3A_234 = tpu.vector_load_idx %arg8[%parallel_loop3A_85, %parallel_loop3A_232] : memref<80x128xf32, #tpu.memory_space<vmem>>[vector<16xi32>, vector<16xi32>], vector<16xf32>,
          %parallel_loop3A_235 = arith.mulf %parallel_loop3A_233, %parallel_loop3A_234 : vector<16xf32>
          %parallel_loop3A_236 = arith.addf %parallel_loop3A_207, %parallel_loop3A_235 : vector<16xf32>
          %parallel_loop3A_237 = arith.constant 32 : i32
          %parallel_loop3A_238 = vector.broadcast %parallel_loop3A_237 : i32 to vector<16xi32>
          %parallel_loop3A_239 = arith.addi %parallel_loop3A_222, %parallel_loop3A_238 : vector<16xi32>
          %parallel_loop3A_240 = tpu.vector_load_idx %arg7[%parallel_loop3A_85, %parallel_loop3A_239] : memref<80x256xf32, #tpu.memory_space<vmem>>[vector<16xi32>, vector<16xi32>], vector<16xf32>,
          %parallel_loop3A_241 = tpu.vector_load_idx %arg8[%parallel_loop3A_85, %parallel_loop3A_239] : memref<80x128xf32, #tpu.memory_space<vmem>>[vector<16xi32>, vector<16xi32>], vector<16xf32>,
          %parallel_loop3A_242 = arith.mulf %parallel_loop3A_240, %parallel_loop3A_241 : vector<16xf32>
          %parallel_loop3A_243 = arith.addf %parallel_loop3A_208, %parallel_loop3A_242 : vector<16xf32>
          %parallel_loop3A_244 = arith.constant 48 : i32
          %parallel_loop3A_245 = vector.broadcast %parallel_loop3A_244 : i32 to vector<16xi32>
          %parallel_loop3A_246 = arith.addi %parallel_loop3A_222, %parallel_loop3A_245 : vector<16xi32>
          %parallel_loop3A_247 = tpu.vector_load_idx %arg7[%parallel_loop3A_85, %parallel_loop3A_246] : memref<80x256xf32, #tpu.memory_space<vmem>>[vector<16xi32>, vector<16xi32>], vector<16xf32>,
          %parallel_loop3A_248 = tpu.vector_load_idx %arg8[%parallel_loop3A_85, %parallel_loop3A_246] : memref<80x128xf32, #tpu.memory_space<vmem>>[vector<16xi32>, vector<16xi32>], vector<16xf32>,
          %parallel_loop3A_249 = arith.mulf %parallel_loop3A_247, %parallel_loop3A_248 : vector<16xf32>
          %parallel_loop3A_250 = arith.addf %parallel_loop3A_209, %parallel_loop3A_249 : vector<16xf32>
          %parallel_loop3A_251 = arith.constant 64 : i32
          %parallel_loop3A_252 = vector.broadcast %parallel_loop3A_251 : i32 to vector<16xi32>
          %parallel_loop3A_253 = arith.addi %parallel_loop3A_222, %parallel_loop3A_252 : vector<16xi32>
          %parallel_loop3A_254 = tpu.vector_load_idx %arg7[%parallel_loop3A_85, %parallel_loop3A_253] : memref<80x256xf32, #tpu.memory_space<vmem>>[vector<16xi32>, vector<16xi32>], vector<16xf32>,
          %parallel_loop3A_255 = tpu.vector_load_idx %arg8[%parallel_loop3A_85, %parallel_loop3A_253] : memref<80x128xf32, #tpu.memory_space<vmem>>[vector<16xi32>, vector<16xi32>], vector<16xf32>,
          %parallel_loop3A_256 = arith.mulf %parallel_loop3A_254, %parallel_loop3A_255 : vector<16xf32>
          %parallel_loop3A_257 = arith.addf %parallel_loop3A_210, %parallel_loop3A_256 : vector<16xf32>
          %parallel_loop3A_258 = arith.constant 80 : i32
          %parallel_loop3A_259 = vector.broadcast %parallel_loop3A_258 : i32 to vector<16xi32>
          %parallel_loop3A_260 = arith.addi %parallel_loop3A_222, %parallel_loop3A_259 : vector<16xi32>
          %parallel_loop3A_261 = tpu.vector_load_idx %arg7[%parallel_loop3A_85, %parallel_loop3A_260] : memref<80x256xf32, #tpu.memory_space<vmem>>[vector<16xi32>, vector<16xi32>], vector<16xf32>,
          %parallel_loop3A_262 = tpu.vector_load_idx %arg8[%parallel_loop3A_85, %parallel_loop3A_260] : memref<80x128xf32, #tpu.memory_space<vmem>>[vector<16xi32>, vector<16xi32>], vector<16xf32>,
          %parallel_loop3A_263 = arith.mulf %parallel_loop3A_261, %parallel_loop3A_262 : vector<16xf32>
          %parallel_loop3A_264 = arith.addf %parallel_loop3A_211, %parallel_loop3A_263 : vector<16xf32>
          %parallel_loop3A_265 = arith.constant 96 : i32
          %parallel_loop3A_266 = vector.broadcast %parallel_loop3A_265 : i32 to vector<16xi32>
          %parallel_loop3A_267 = arith.addi %parallel_loop3A_222, %parallel_loop3A_266 : vector<16xi32>
          %parallel_loop3A_268 = tpu.vector_load_idx %arg7[%parallel_loop3A_85, %parallel_loop3A_267] : memref<80x256xf32, #tpu.memory_space<vmem>>[vector<16xi32>, vector<16xi32>], vector<16xf32>,
          %parallel_loop3A_269 = tpu.vector_load_idx %arg8[%parallel_loop3A_85, %parallel_loop3A_267] : memref<80x128xf32, #tpu.memory_space<vmem>>[vector<16xi32>, vector<16xi32>], vector<16xf32>,
          %parallel_loop3A_270 = arith.mulf %parallel_loop3A_268, %parallel_loop3A_269 : vector<16xf32>
          %parallel_loop3A_271 = arith.addf %parallel_loop3A_212, %parallel_loop3A_270 : vector<16xf32>
          %parallel_loop3A_272 = arith.constant 112 : i32
          %parallel_loop3A_273 = vector.broadcast %parallel_loop3A_272 : i32 to vector<16xi32>
          %parallel_loop3A_274 = arith.addi %parallel_loop3A_222, %parallel_loop3A_273 : vector<16xi32>
          %parallel_loop3A_275 = tpu.vector_load_idx %arg7[%parallel_loop3A_85, %parallel_loop3A_274] : memref<80x256xf32, #tpu.memory_space<vmem>>[vector<16xi32>, vector<16xi32>], vector<16xf32>,
          %parallel_loop3A_276 = tpu.vector_load_idx %arg8[%parallel_loop3A_85, %parallel_loop3A_274] : memref<80x128xf32, #tpu.memory_space<vmem>>[vector<16xi32>, vector<16xi32>], vector<16xf32>,
          %parallel_loop3A_277 = arith.mulf %parallel_loop3A_275, %parallel_loop3A_276 : vector<16xf32>
          %parallel_loop3A_278 = arith.addf %parallel_loop3A_213, %parallel_loop3A_277 : vector<16xf32>
          %parallel_loop3A_279 = arith.constant 1 : i32
          %parallel_loop3A_280 = arith.addi %parallel_loop3A_215, %parallel_loop3A_279 : i32
          %parallel_loop3A_281 = vector.broadcast %parallel_loop3A_280 : i32 to vector<16xi32>
          %parallel_loop3A_282 = arith.addi %iota3A, %parallel_loop3A_281 : vector<16xi32>
          %parallel_loop3A_283 = arith.constant 15 : i32
          %parallel_loop3A_284 = vector.broadcast %parallel_loop3A_283 : i32 to vector<16xi32>
          %parallel_loop3A_285 = arith.andi %parallel_loop3A_282, %parallel_loop3A_284 : vector<16xi32>
          %parallel_loop3A_286 = arith.constant 0 : i32
          %parallel_loop3A_287 = vector.broadcast %parallel_loop3A_286 : i32 to vector<16xi32>
          %parallel_loop3A_288 = arith.addi %parallel_loop3A_285, %parallel_loop3A_287 : vector<16xi32>
          %parallel_loop3A_289 = tpu.vector_load_idx %arg7[%parallel_loop3A_85, %parallel_loop3A_288] : memref<80x256xf32, #tpu.memory_space<vmem>>[vector<16xi32>, vector<16xi32>], vector<16xf32>,
          %parallel_loop3A_290 = tpu.vector_load_idx %arg8[%parallel_loop3A_85, %parallel_loop3A_288] : memref<80x128xf32, #tpu.memory_space<vmem>>[vector<16xi32>, vector<16xi32>], vector<16xf32>,
          %parallel_loop3A_291 = arith.mulf %parallel_loop3A_289, %parallel_loop3A_290 : vector<16xf32>
          %parallel_loop3A_292 = arith.addf %parallel_loop3A_229, %parallel_loop3A_291 : vector<16xf32>
          %parallel_loop3A_293 = arith.constant 16 : i32
          %parallel_loop3A_294 = vector.broadcast %parallel_loop3A_293 : i32 to vector<16xi32>
          %parallel_loop3A_295 = arith.addi %parallel_loop3A_285, %parallel_loop3A_294 : vector<16xi32>
          %parallel_loop3A_296 = tpu.vector_load_idx %arg7[%parallel_loop3A_85, %parallel_loop3A_295] : memref<80x256xf32, #tpu.memory_space<vmem>>[vector<16xi32>, vector<16xi32>], vector<16xf32>,
          %parallel_loop3A_297 = tpu.vector_load_idx %arg8[%parallel_loop3A_85, %parallel_loop3A_295] : memref<80x128xf32, #tpu.memory_space<vmem>>[vector<16xi32>, vector<16xi32>], vector<16xf32>,
          %parallel_loop3A_298 = arith.mulf %parallel_loop3A_296, %parallel_loop3A_297 : vector<16xf32>
          %parallel_loop3A_299 = arith.addf %parallel_loop3A_236, %parallel_loop3A_298 : vector<16xf32>
          %parallel_loop3A_300 = arith.constant 32 : i32
          %parallel_loop3A_301 = vector.broadcast %parallel_loop3A_300 : i32 to vector<16xi32>
          %parallel_loop3A_302 = arith.addi %parallel_loop3A_285, %parallel_loop3A_301 : vector<16xi32>
          %parallel_loop3A_303 = tpu.vector_load_idx %arg7[%parallel_loop3A_85, %parallel_loop3A_302] : memref<80x256xf32, #tpu.memory_space<vmem>>[vector<16xi32>, vector<16xi32>], vector<16xf32>,
          %parallel_loop3A_304 = tpu.vector_load_idx %arg8[%parallel_loop3A_85, %parallel_loop3A_302] : memref<80x128xf32, #tpu.memory_space<vmem>>[vector<16xi32>, vector<16xi32>], vector<16xf32>,
          %parallel_loop3A_305 = arith.mulf %parallel_loop3A_303, %parallel_loop3A_304 : vector<16xf32>
          %parallel_loop3A_306 = arith.addf %parallel_loop3A_243, %parallel_loop3A_305 : vector<16xf32>
          %parallel_loop3A_307 = arith.constant 48 : i32
          %parallel_loop3A_308 = vector.broadcast %parallel_loop3A_307 : i32 to vector<16xi32>
          %parallel_loop3A_309 = arith.addi %parallel_loop3A_285, %parallel_loop3A_308 : vector<16xi32>
          %parallel_loop3A_310 = tpu.vector_load_idx %arg7[%parallel_loop3A_85, %parallel_loop3A_309] : memref<80x256xf32, #tpu.memory_space<vmem>>[vector<16xi32>, vector<16xi32>], vector<16xf32>,
          %parallel_loop3A_311 = tpu.vector_load_idx %arg8[%parallel_loop3A_85, %parallel_loop3A_309] : memref<80x128xf32, #tpu.memory_space<vmem>>[vector<16xi32>, vector<16xi32>], vector<16xf32>,
          %parallel_loop3A_312 = arith.mulf %parallel_loop3A_310, %parallel_loop3A_311 : vector<16xf32>
          %parallel_loop3A_313 = arith.addf %parallel_loop3A_250, %parallel_loop3A_312 : vector<16xf32>
          %parallel_loop3A_314 = arith.constant 64 : i32
          %parallel_loop3A_315 = vector.broadcast %parallel_loop3A_314 : i32 to vector<16xi32>
          %parallel_loop3A_316 = arith.addi %parallel_loop3A_285, %parallel_loop3A_315 : vector<16xi32>
          %parallel_loop3A_317 = tpu.vector_load_idx %arg7[%parallel_loop3A_85, %parallel_loop3A_316] : memref<80x256xf32, #tpu.memory_space<vmem>>[vector<16xi32>, vector<16xi32>], vector<16xf32>,
          %parallel_loop3A_318 = tpu.vector_load_idx %arg8[%parallel_loop3A_85, %parallel_loop3A_316] : memref<80x128xf32, #tpu.memory_space<vmem>>[vector<16xi32>, vector<16xi32>], vector<16xf32>,
          %parallel_loop3A_319 = arith.mulf %parallel_loop3A_317, %parallel_loop3A_318 : vector<16xf32>
          %parallel_loop3A_320 = arith.addf %parallel_loop3A_257, %parallel_loop3A_319 : vector<16xf32>
          %parallel_loop3A_321 = arith.constant 80 : i32
          %parallel_loop3A_322 = vector.broadcast %parallel_loop3A_321 : i32 to vector<16xi32>
          %parallel_loop3A_323 = arith.addi %parallel_loop3A_285, %parallel_loop3A_322 : vector<16xi32>
          %parallel_loop3A_324 = tpu.vector_load_idx %arg7[%parallel_loop3A_85, %parallel_loop3A_323] : memref<80x256xf32, #tpu.memory_space<vmem>>[vector<16xi32>, vector<16xi32>], vector<16xf32>,
          %parallel_loop3A_325 = tpu.vector_load_idx %arg8[%parallel_loop3A_85, %parallel_loop3A_323] : memref<80x128xf32, #tpu.memory_space<vmem>>[vector<16xi32>, vector<16xi32>], vector<16xf32>,
          %parallel_loop3A_326 = arith.mulf %parallel_loop3A_324, %parallel_loop3A_325 : vector<16xf32>
          %parallel_loop3A_327 = arith.addf %parallel_loop3A_264, %parallel_loop3A_326 : vector<16xf32>
          %parallel_loop3A_328 = arith.constant 96 : i32
          %parallel_loop3A_329 = vector.broadcast %parallel_loop3A_328 : i32 to vector<16xi32>
          %parallel_loop3A_330 = arith.addi %parallel_loop3A_285, %parallel_loop3A_329 : vector<16xi32>
          %parallel_loop3A_331 = tpu.vector_load_idx %arg7[%parallel_loop3A_85, %parallel_loop3A_330] : memref<80x256xf32, #tpu.memory_space<vmem>>[vector<16xi32>, vector<16xi32>], vector<16xf32>,
          %parallel_loop3A_332 = tpu.vector_load_idx %arg8[%parallel_loop3A_85, %parallel_loop3A_330] : memref<80x128xf32, #tpu.memory_space<vmem>>[vector<16xi32>, vector<16xi32>], vector<16xf32>,
          %parallel_loop3A_333 = arith.mulf %parallel_loop3A_331, %parallel_loop3A_332 : vector<16xf32>
          %parallel_loop3A_334 = arith.addf %parallel_loop3A_271, %parallel_loop3A_333 : vector<16xf32>
          %parallel_loop3A_335 = arith.constant 112 : i32
          %parallel_loop3A_336 = vector.broadcast %parallel_loop3A_335 : i32 to vector<16xi32>
          %parallel_loop3A_337 = arith.addi %parallel_loop3A_285, %parallel_loop3A_336 : vector<16xi32>
          %parallel_loop3A_338 = tpu.vector_load_idx %arg7[%parallel_loop3A_85, %parallel_loop3A_337] : memref<80x256xf32, #tpu.memory_space<vmem>>[vector<16xi32>, vector<16xi32>], vector<16xf32>,
          %parallel_loop3A_339 = tpu.vector_load_idx %arg8[%parallel_loop3A_85, %parallel_loop3A_337] : memref<80x128xf32, #tpu.memory_space<vmem>>[vector<16xi32>, vector<16xi32>], vector<16xf32>,
          %parallel_loop3A_340 = arith.mulf %parallel_loop3A_338, %parallel_loop3A_339 : vector<16xf32>
          %parallel_loop3A_341 = arith.addf %parallel_loop3A_278, %parallel_loop3A_340 : vector<16xf32>
          %parallel_loop3A_342 = arith.constant 2 : i32
          %parallel_loop3A_343 = arith.addi %parallel_loop3A_215, %parallel_loop3A_342 : i32
          %parallel_loop3A_344 = vector.broadcast %parallel_loop3A_343 : i32 to vector<16xi32>
          %parallel_loop3A_345 = arith.addi %iota3A, %parallel_loop3A_344 : vector<16xi32>
          %parallel_loop3A_346 = arith.constant 15 : i32
          %parallel_loop3A_347 = vector.broadcast %parallel_loop3A_346 : i32 to vector<16xi32>
          %parallel_loop3A_348 = arith.andi %parallel_loop3A_345, %parallel_loop3A_347 : vector<16xi32>
          %parallel_loop3A_349 = arith.constant 0 : i32
          %parallel_loop3A_350 = vector.broadcast %parallel_loop3A_349 : i32 to vector<16xi32>
          %parallel_loop3A_351 = arith.addi %parallel_loop3A_348, %parallel_loop3A_350 : vector<16xi32>
          %parallel_loop3A_352 = tpu.vector_load_idx %arg7[%parallel_loop3A_85, %parallel_loop3A_351] : memref<80x256xf32, #tpu.memory_space<vmem>>[vector<16xi32>, vector<16xi32>], vector<16xf32>,
          %parallel_loop3A_353 = tpu.vector_load_idx %arg8[%parallel_loop3A_85, %parallel_loop3A_351] : memref<80x128xf32, #tpu.memory_space<vmem>>[vector<16xi32>, vector<16xi32>], vector<16xf32>,
          %parallel_loop3A_354 = arith.mulf %parallel_loop3A_352, %parallel_loop3A_353 : vector<16xf32>
          %parallel_loop3A_355 = arith.addf %parallel_loop3A_292, %parallel_loop3A_354 : vector<16xf32>
          %parallel_loop3A_356 = arith.constant 16 : i32
          %parallel_loop3A_357 = vector.broadcast %parallel_loop3A_356 : i32 to vector<16xi32>
          %parallel_loop3A_358 = arith.addi %parallel_loop3A_348, %parallel_loop3A_357 : vector<16xi32>
          %parallel_loop3A_359 = tpu.vector_load_idx %arg7[%parallel_loop3A_85, %parallel_loop3A_358] : memref<80x256xf32, #tpu.memory_space<vmem>>[vector<16xi32>, vector<16xi32>], vector<16xf32>,
          %parallel_loop3A_360 = tpu.vector_load_idx %arg8[%parallel_loop3A_85, %parallel_loop3A_358] : memref<80x128xf32, #tpu.memory_space<vmem>>[vector<16xi32>, vector<16xi32>], vector<16xf32>,
          %parallel_loop3A_361 = arith.mulf %parallel_loop3A_359, %parallel_loop3A_360 : vector<16xf32>
          %parallel_loop3A_362 = arith.addf %parallel_loop3A_299, %parallel_loop3A_361 : vector<16xf32>
          %parallel_loop3A_363 = arith.constant 32 : i32
          %parallel_loop3A_364 = vector.broadcast %parallel_loop3A_363 : i32 to vector<16xi32>
          %parallel_loop3A_365 = arith.addi %parallel_loop3A_348, %parallel_loop3A_364 : vector<16xi32>
          %parallel_loop3A_366 = tpu.vector_load_idx %arg7[%parallel_loop3A_85, %parallel_loop3A_365] : memref<80x256xf32, #tpu.memory_space<vmem>>[vector<16xi32>, vector<16xi32>], vector<16xf32>,
          %parallel_loop3A_367 = tpu.vector_load_idx %arg8[%parallel_loop3A_85, %parallel_loop3A_365] : memref<80x128xf32, #tpu.memory_space<vmem>>[vector<16xi32>, vector<16xi32>], vector<16xf32>,
          %parallel_loop3A_368 = arith.mulf %parallel_loop3A_366, %parallel_loop3A_367 : vector<16xf32>
          %parallel_loop3A_369 = arith.addf %parallel_loop3A_306, %parallel_loop3A_368 : vector<16xf32>
          %parallel_loop3A_370 = arith.constant 48 : i32
          %parallel_loop3A_371 = vector.broadcast %parallel_loop3A_370 : i32 to vector<16xi32>
          %parallel_loop3A_372 = arith.addi %parallel_loop3A_348, %parallel_loop3A_371 : vector<16xi32>
          %parallel_loop3A_373 = tpu.vector_load_idx %arg7[%parallel_loop3A_85, %parallel_loop3A_372] : memref<80x256xf32, #tpu.memory_space<vmem>>[vector<16xi32>, vector<16xi32>], vector<16xf32>,
          %parallel_loop3A_374 = tpu.vector_load_idx %arg8[%parallel_loop3A_85, %parallel_loop3A_372] : memref<80x128xf32, #tpu.memory_space<vmem>>[vector<16xi32>, vector<16xi32>], vector<16xf32>,
          %parallel_loop3A_375 = arith.mulf %parallel_loop3A_373, %parallel_loop3A_374 : vector<16xf32>
          %parallel_loop3A_376 = arith.addf %parallel_loop3A_313, %parallel_loop3A_375 : vector<16xf32>
          %parallel_loop3A_377 = arith.constant 64 : i32
          %parallel_loop3A_378 = vector.broadcast %parallel_loop3A_377 : i32 to vector<16xi32>
          %parallel_loop3A_379 = arith.addi %parallel_loop3A_348, %parallel_loop3A_378 : vector<16xi32>
          %parallel_loop3A_380 = tpu.vector_load_idx %arg7[%parallel_loop3A_85, %parallel_loop3A_379] : memref<80x256xf32, #tpu.memory_space<vmem>>[vector<16xi32>, vector<16xi32>], vector<16xf32>,
          %parallel_loop3A_381 = tpu.vector_load_idx %arg8[%parallel_loop3A_85, %parallel_loop3A_379] : memref<80x128xf32, #tpu.memory_space<vmem>>[vector<16xi32>, vector<16xi32>], vector<16xf32>,
          %parallel_loop3A_382 = arith.mulf %parallel_loop3A_380, %parallel_loop3A_381 : vector<16xf32>
          %parallel_loop3A_383 = arith.addf %parallel_loop3A_320, %parallel_loop3A_382 : vector<16xf32>
          %parallel_loop3A_384 = arith.constant 80 : i32
          %parallel_loop3A_385 = vector.broadcast %parallel_loop3A_384 : i32 to vector<16xi32>
          %parallel_loop3A_386 = arith.addi %parallel_loop3A_348, %parallel_loop3A_385 : vector<16xi32>
          %parallel_loop3A_387 = tpu.vector_load_idx %arg7[%parallel_loop3A_85, %parallel_loop3A_386] : memref<80x256xf32, #tpu.memory_space<vmem>>[vector<16xi32>, vector<16xi32>], vector<16xf32>,
          %parallel_loop3A_388 = tpu.vector_load_idx %arg8[%parallel_loop3A_85, %parallel_loop3A_386] : memref<80x128xf32, #tpu.memory_space<vmem>>[vector<16xi32>, vector<16xi32>], vector<16xf32>,
          %parallel_loop3A_389 = arith.mulf %parallel_loop3A_387, %parallel_loop3A_388 : vector<16xf32>
          %parallel_loop3A_390 = arith.addf %parallel_loop3A_327, %parallel_loop3A_389 : vector<16xf32>
          %parallel_loop3A_391 = arith.constant 96 : i32
          %parallel_loop3A_392 = vector.broadcast %parallel_loop3A_391 : i32 to vector<16xi32>
          %parallel_loop3A_393 = arith.addi %parallel_loop3A_348, %parallel_loop3A_392 : vector<16xi32>
          %parallel_loop3A_394 = tpu.vector_load_idx %arg7[%parallel_loop3A_85, %parallel_loop3A_393] : memref<80x256xf32, #tpu.memory_space<vmem>>[vector<16xi32>, vector<16xi32>], vector<16xf32>,
          %parallel_loop3A_395 = tpu.vector_load_idx %arg8[%parallel_loop3A_85, %parallel_loop3A_393] : memref<80x128xf32, #tpu.memory_space<vmem>>[vector<16xi32>, vector<16xi32>], vector<16xf32>,
          %parallel_loop3A_396 = arith.mulf %parallel_loop3A_394, %parallel_loop3A_395 : vector<16xf32>
          %parallel_loop3A_397 = arith.addf %parallel_loop3A_334, %parallel_loop3A_396 : vector<16xf32>
          %parallel_loop3A_398 = arith.constant 112 : i32
          %parallel_loop3A_399 = vector.broadcast %parallel_loop3A_398 : i32 to vector<16xi32>
          %parallel_loop3A_400 = arith.addi %parallel_loop3A_348, %parallel_loop3A_399 : vector<16xi32>
          %parallel_loop3A_401 = tpu.vector_load_idx %arg7[%parallel_loop3A_85, %parallel_loop3A_400] : memref<80x256xf32, #tpu.memory_space<vmem>>[vector<16xi32>, vector<16xi32>], vector<16xf32>,
          %parallel_loop3A_402 = tpu.vector_load_idx %arg8[%parallel_loop3A_85, %parallel_loop3A_400] : memref<80x128xf32, #tpu.memory_space<vmem>>[vector<16xi32>, vector<16xi32>], vector<16xf32>,
          %parallel_loop3A_403 = arith.mulf %parallel_loop3A_401, %parallel_loop3A_402 : vector<16xf32>
          %parallel_loop3A_404 = arith.addf %parallel_loop3A_341, %parallel_loop3A_403 : vector<16xf32>
          %parallel_loop3A_405 = arith.constant 3 : i32
          %parallel_loop3A_406 = arith.addi %parallel_loop3A_215, %parallel_loop3A_405 : i32
          %parallel_loop3A_407 = vector.broadcast %parallel_loop3A_406 : i32 to vector<16xi32>
          %parallel_loop3A_408 = arith.addi %iota3A, %parallel_loop3A_407 : vector<16xi32>
          %parallel_loop3A_409 = arith.constant 15 : i32
          %parallel_loop3A_410 = vector.broadcast %parallel_loop3A_409 : i32 to vector<16xi32>
          %parallel_loop3A_411 = arith.andi %parallel_loop3A_408, %parallel_loop3A_410 : vector<16xi32>
          %parallel_loop3A_412 = arith.constant 0 : i32
          %parallel_loop3A_413 = vector.broadcast %parallel_loop3A_412 : i32 to vector<16xi32>
          %parallel_loop3A_414 = arith.addi %parallel_loop3A_411, %parallel_loop3A_413 : vector<16xi32>
          %parallel_loop3A_415 = tpu.vector_load_idx %arg7[%parallel_loop3A_85, %parallel_loop3A_414] : memref<80x256xf32, #tpu.memory_space<vmem>>[vector<16xi32>, vector<16xi32>], vector<16xf32>,
          %parallel_loop3A_416 = tpu.vector_load_idx %arg8[%parallel_loop3A_85, %parallel_loop3A_414] : memref<80x128xf32, #tpu.memory_space<vmem>>[vector<16xi32>, vector<16xi32>], vector<16xf32>,
          %parallel_loop3A_417 = arith.mulf %parallel_loop3A_415, %parallel_loop3A_416 : vector<16xf32>
          %parallel_loop3A_418 = arith.addf %parallel_loop3A_355, %parallel_loop3A_417 : vector<16xf32>
          %parallel_loop3A_419 = arith.constant 16 : i32
          %parallel_loop3A_420 = vector.broadcast %parallel_loop3A_419 : i32 to vector<16xi32>
          %parallel_loop3A_421 = arith.addi %parallel_loop3A_411, %parallel_loop3A_420 : vector<16xi32>
          %parallel_loop3A_422 = tpu.vector_load_idx %arg7[%parallel_loop3A_85, %parallel_loop3A_421] : memref<80x256xf32, #tpu.memory_space<vmem>>[vector<16xi32>, vector<16xi32>], vector<16xf32>,
          %parallel_loop3A_423 = tpu.vector_load_idx %arg8[%parallel_loop3A_85, %parallel_loop3A_421] : memref<80x128xf32, #tpu.memory_space<vmem>>[vector<16xi32>, vector<16xi32>], vector<16xf32>,
          %parallel_loop3A_424 = arith.mulf %parallel_loop3A_422, %parallel_loop3A_423 : vector<16xf32>
          %parallel_loop3A_425 = arith.addf %parallel_loop3A_362, %parallel_loop3A_424 : vector<16xf32>
          %parallel_loop3A_426 = arith.constant 32 : i32
          %parallel_loop3A_427 = vector.broadcast %parallel_loop3A_426 : i32 to vector<16xi32>
          %parallel_loop3A_428 = arith.addi %parallel_loop3A_411, %parallel_loop3A_427 : vector<16xi32>
          %parallel_loop3A_429 = tpu.vector_load_idx %arg7[%parallel_loop3A_85, %parallel_loop3A_428] : memref<80x256xf32, #tpu.memory_space<vmem>>[vector<16xi32>, vector<16xi32>], vector<16xf32>,
          %parallel_loop3A_430 = tpu.vector_load_idx %arg8[%parallel_loop3A_85, %parallel_loop3A_428] : memref<80x128xf32, #tpu.memory_space<vmem>>[vector<16xi32>, vector<16xi32>], vector<16xf32>,
          %parallel_loop3A_431 = arith.mulf %parallel_loop3A_429, %parallel_loop3A_430 : vector<16xf32>
          %parallel_loop3A_432 = arith.addf %parallel_loop3A_369, %parallel_loop3A_431 : vector<16xf32>
          %parallel_loop3A_433 = arith.constant 48 : i32
          %parallel_loop3A_434 = vector.broadcast %parallel_loop3A_433 : i32 to vector<16xi32>
          %parallel_loop3A_435 = arith.addi %parallel_loop3A_411, %parallel_loop3A_434 : vector<16xi32>
          %parallel_loop3A_436 = tpu.vector_load_idx %arg7[%parallel_loop3A_85, %parallel_loop3A_435] : memref<80x256xf32, #tpu.memory_space<vmem>>[vector<16xi32>, vector<16xi32>], vector<16xf32>,
          %parallel_loop3A_437 = tpu.vector_load_idx %arg8[%parallel_loop3A_85, %parallel_loop3A_435] : memref<80x128xf32, #tpu.memory_space<vmem>>[vector<16xi32>, vector<16xi32>], vector<16xf32>,
          %parallel_loop3A_438 = arith.mulf %parallel_loop3A_436, %parallel_loop3A_437 : vector<16xf32>
          %parallel_loop3A_439 = arith.addf %parallel_loop3A_376, %parallel_loop3A_438 : vector<16xf32>
          %parallel_loop3A_440 = arith.constant 64 : i32
          %parallel_loop3A_441 = vector.broadcast %parallel_loop3A_440 : i32 to vector<16xi32>
          %parallel_loop3A_442 = arith.addi %parallel_loop3A_411, %parallel_loop3A_441 : vector<16xi32>
          %parallel_loop3A_443 = tpu.vector_load_idx %arg7[%parallel_loop3A_85, %parallel_loop3A_442] : memref<80x256xf32, #tpu.memory_space<vmem>>[vector<16xi32>, vector<16xi32>], vector<16xf32>,
          %parallel_loop3A_444 = tpu.vector_load_idx %arg8[%parallel_loop3A_85, %parallel_loop3A_442] : memref<80x128xf32, #tpu.memory_space<vmem>>[vector<16xi32>, vector<16xi32>], vector<16xf32>,
          %parallel_loop3A_445 = arith.mulf %parallel_loop3A_443, %parallel_loop3A_444 : vector<16xf32>
          %parallel_loop3A_446 = arith.addf %parallel_loop3A_383, %parallel_loop3A_445 : vector<16xf32>
          %parallel_loop3A_447 = arith.constant 80 : i32
          %parallel_loop3A_448 = vector.broadcast %parallel_loop3A_447 : i32 to vector<16xi32>
          %parallel_loop3A_449 = arith.addi %parallel_loop3A_411, %parallel_loop3A_448 : vector<16xi32>
          %parallel_loop3A_450 = tpu.vector_load_idx %arg7[%parallel_loop3A_85, %parallel_loop3A_449] : memref<80x256xf32, #tpu.memory_space<vmem>>[vector<16xi32>, vector<16xi32>], vector<16xf32>,
          %parallel_loop3A_451 = tpu.vector_load_idx %arg8[%parallel_loop3A_85, %parallel_loop3A_449] : memref<80x128xf32, #tpu.memory_space<vmem>>[vector<16xi32>, vector<16xi32>], vector<16xf32>,
          %parallel_loop3A_452 = arith.mulf %parallel_loop3A_450, %parallel_loop3A_451 : vector<16xf32>
          %parallel_loop3A_453 = arith.addf %parallel_loop3A_390, %parallel_loop3A_452 : vector<16xf32>
          %parallel_loop3A_454 = arith.constant 96 : i32
          %parallel_loop3A_455 = vector.broadcast %parallel_loop3A_454 : i32 to vector<16xi32>
          %parallel_loop3A_456 = arith.addi %parallel_loop3A_411, %parallel_loop3A_455 : vector<16xi32>
          %parallel_loop3A_457 = tpu.vector_load_idx %arg7[%parallel_loop3A_85, %parallel_loop3A_456] : memref<80x256xf32, #tpu.memory_space<vmem>>[vector<16xi32>, vector<16xi32>], vector<16xf32>,
          %parallel_loop3A_458 = tpu.vector_load_idx %arg8[%parallel_loop3A_85, %parallel_loop3A_456] : memref<80x128xf32, #tpu.memory_space<vmem>>[vector<16xi32>, vector<16xi32>], vector<16xf32>,
          %parallel_loop3A_459 = arith.mulf %parallel_loop3A_457, %parallel_loop3A_458 : vector<16xf32>
          %parallel_loop3A_460 = arith.addf %parallel_loop3A_397, %parallel_loop3A_459 : vector<16xf32>
          %parallel_loop3A_461 = arith.constant 112 : i32
          %parallel_loop3A_462 = vector.broadcast %parallel_loop3A_461 : i32 to vector<16xi32>
          %parallel_loop3A_463 = arith.addi %parallel_loop3A_411, %parallel_loop3A_462 : vector<16xi32>
          %parallel_loop3A_464 = tpu.vector_load_idx %arg7[%parallel_loop3A_85, %parallel_loop3A_463] : memref<80x256xf32, #tpu.memory_space<vmem>>[vector<16xi32>, vector<16xi32>], vector<16xf32>,
          %parallel_loop3A_465 = tpu.vector_load_idx %arg8[%parallel_loop3A_85, %parallel_loop3A_463] : memref<80x128xf32, #tpu.memory_space<vmem>>[vector<16xi32>, vector<16xi32>], vector<16xf32>,
          %parallel_loop3A_466 = arith.mulf %parallel_loop3A_464, %parallel_loop3A_465 : vector<16xf32>
          %parallel_loop3A_467 = arith.addf %parallel_loop3A_404, %parallel_loop3A_466 : vector<16xf32>
          scf.yield %parallel_loop3A_418, %parallel_loop3A_425, %parallel_loop3A_432, %parallel_loop3A_439, %parallel_loop3A_446, %parallel_loop3A_453, %parallel_loop3A_460, %parallel_loop3A_467 : vector<16xf32>, vector<16xf32>, vector<16xf32>, vector<16xf32>, vector<16xf32>, vector<16xf32>, vector<16xf32>, vector<16xf32>
        } {sc.loop_unroll_factor = 1 : i64, sc.parallel_access}
        %parallel_loop3A_106 = arith.constant 2.500000e-01 : f32
        %parallel_loop3A_107 = vector.broadcast %parallel_loop3A_106 : f32 to vector<16xf32>
        %parallel_loop3A_108 = arith.mulf %parallel_loop3A_105#0, %parallel_loop3A_107 : vector<16xf32>
        %parallel_loop3A_109 = arith.constant -5.000000e+00 : f32
        %parallel_loop3A_110 = arith.constant 5.000000e+00 : f32
        %parallel_loop3A_111 = vector.broadcast %parallel_loop3A_109 : f32 to vector<16xf32>
        %parallel_loop3A_112 = arith.maximumf %parallel_loop3A_111, %parallel_loop3A_108 : vector<16xf32>
        %parallel_loop3A_113 = vector.broadcast %parallel_loop3A_110 : f32 to vector<16xf32>
        %parallel_loop3A_114 = arith.minimumf %parallel_loop3A_113, %parallel_loop3A_112 : vector<16xf32>
        %parallel_loop3A_115 = math.exp %parallel_loop3A_114 : vector<16xf32>
        %parallel_loop3A_116 = arith.constant 2.500000e-01 : f32
        %parallel_loop3A_117 = vector.broadcast %parallel_loop3A_116 : f32 to vector<16xf32>
        %parallel_loop3A_118 = arith.mulf %parallel_loop3A_105#1, %parallel_loop3A_117 : vector<16xf32>
        %parallel_loop3A_119 = arith.constant -5.000000e+00 : f32
        %parallel_loop3A_120 = arith.constant 5.000000e+00 : f32
        %parallel_loop3A_121 = vector.broadcast %parallel_loop3A_119 : f32 to vector<16xf32>
        %parallel_loop3A_122 = arith.maximumf %parallel_loop3A_121, %parallel_loop3A_118 : vector<16xf32>
        %parallel_loop3A_123 = vector.broadcast %parallel_loop3A_120 : f32 to vector<16xf32>
        %parallel_loop3A_124 = arith.minimumf %parallel_loop3A_123, %parallel_loop3A_122 : vector<16xf32>
        %parallel_loop3A_125 = math.exp %parallel_loop3A_124 : vector<16xf32>
        %parallel_loop3A_126 = arith.constant 2.500000e-01 : f32
        %parallel_loop3A_127 = vector.broadcast %parallel_loop3A_126 : f32 to vector<16xf32>
        %parallel_loop3A_128 = arith.mulf %parallel_loop3A_105#2, %parallel_loop3A_127 : vector<16xf32>
        %parallel_loop3A_129 = arith.constant -5.000000e+00 : f32
        %parallel_loop3A_130 = arith.constant 5.000000e+00 : f32
        %parallel_loop3A_131 = vector.broadcast %parallel_loop3A_129 : f32 to vector<16xf32>
        %parallel_loop3A_132 = arith.maximumf %parallel_loop3A_131, %parallel_loop3A_128 : vector<16xf32>
        %parallel_loop3A_133 = vector.broadcast %parallel_loop3A_130 : f32 to vector<16xf32>
        %parallel_loop3A_134 = arith.minimumf %parallel_loop3A_133, %parallel_loop3A_132 : vector<16xf32>
        %parallel_loop3A_135 = math.exp %parallel_loop3A_134 : vector<16xf32>
        %parallel_loop3A_136 = arith.constant 2.500000e-01 : f32
        %parallel_loop3A_137 = vector.broadcast %parallel_loop3A_136 : f32 to vector<16xf32>
        %parallel_loop3A_138 = arith.mulf %parallel_loop3A_105#3, %parallel_loop3A_137 : vector<16xf32>
        %parallel_loop3A_139 = arith.constant -5.000000e+00 : f32
        %parallel_loop3A_140 = arith.constant 5.000000e+00 : f32
        %parallel_loop3A_141 = vector.broadcast %parallel_loop3A_139 : f32 to vector<16xf32>
        %parallel_loop3A_142 = arith.maximumf %parallel_loop3A_141, %parallel_loop3A_138 : vector<16xf32>
        %parallel_loop3A_143 = vector.broadcast %parallel_loop3A_140 : f32 to vector<16xf32>
        %parallel_loop3A_144 = arith.minimumf %parallel_loop3A_143, %parallel_loop3A_142 : vector<16xf32>
        %parallel_loop3A_145 = math.exp %parallel_loop3A_144 : vector<16xf32>
        %parallel_loop3A_146 = arith.constant 2.500000e-01 : f32
        %parallel_loop3A_147 = vector.broadcast %parallel_loop3A_146 : f32 to vector<16xf32>
        %parallel_loop3A_148 = arith.mulf %parallel_loop3A_105#4, %parallel_loop3A_147 : vector<16xf32>
        %parallel_loop3A_149 = arith.constant -5.000000e+00 : f32
        %parallel_loop3A_150 = arith.constant 5.000000e+00 : f32
        %parallel_loop3A_151 = vector.broadcast %parallel_loop3A_149 : f32 to vector<16xf32>
        %parallel_loop3A_152 = arith.maximumf %parallel_loop3A_151, %parallel_loop3A_148 : vector<16xf32>
        %parallel_loop3A_153 = vector.broadcast %parallel_loop3A_150 : f32 to vector<16xf32>
        %parallel_loop3A_154 = arith.minimumf %parallel_loop3A_153, %parallel_loop3A_152 : vector<16xf32>
        %parallel_loop3A_155 = math.exp %parallel_loop3A_154 : vector<16xf32>
        %parallel_loop3A_156 = arith.constant 2.500000e-01 : f32
        %parallel_loop3A_157 = vector.broadcast %parallel_loop3A_156 : f32 to vector<16xf32>
        %parallel_loop3A_158 = arith.mulf %parallel_loop3A_105#5, %parallel_loop3A_157 : vector<16xf32>
        %parallel_loop3A_159 = arith.constant -5.000000e+00 : f32
        %parallel_loop3A_160 = arith.constant 5.000000e+00 : f32
        %parallel_loop3A_161 = vector.broadcast %parallel_loop3A_159 : f32 to vector<16xf32>
        %parallel_loop3A_162 = arith.maximumf %parallel_loop3A_161, %parallel_loop3A_158 : vector<16xf32>
        %parallel_loop3A_163 = vector.broadcast %parallel_loop3A_160 : f32 to vector<16xf32>
        %parallel_loop3A_164 = arith.minimumf %parallel_loop3A_163, %parallel_loop3A_162 : vector<16xf32>
        %parallel_loop3A_165 = math.exp %parallel_loop3A_164 : vector<16xf32>
        %parallel_loop3A_166 = arith.constant 2.500000e-01 : f32
        %parallel_loop3A_167 = vector.broadcast %parallel_loop3A_166 : f32 to vector<16xf32>
        %parallel_loop3A_168 = arith.mulf %parallel_loop3A_105#6, %parallel_loop3A_167 : vector<16xf32>
        %parallel_loop3A_169 = arith.constant -5.000000e+00 : f32
        %parallel_loop3A_170 = arith.constant 5.000000e+00 : f32
        %parallel_loop3A_171 = vector.broadcast %parallel_loop3A_169 : f32 to vector<16xf32>
        %parallel_loop3A_172 = arith.maximumf %parallel_loop3A_171, %parallel_loop3A_168 : vector<16xf32>
        %parallel_loop3A_173 = vector.broadcast %parallel_loop3A_170 : f32 to vector<16xf32>
        %parallel_loop3A_174 = arith.minimumf %parallel_loop3A_173, %parallel_loop3A_172 : vector<16xf32>
        %parallel_loop3A_175 = math.exp %parallel_loop3A_174 : vector<16xf32>
        %parallel_loop3A_176 = arith.constant 2.500000e-01 : f32
        %parallel_loop3A_177 = vector.broadcast %parallel_loop3A_176 : f32 to vector<16xf32>
        %parallel_loop3A_178 = arith.mulf %parallel_loop3A_105#7, %parallel_loop3A_177 : vector<16xf32>
        %parallel_loop3A_179 = arith.constant -5.000000e+00 : f32
        %parallel_loop3A_180 = arith.constant 5.000000e+00 : f32
        %parallel_loop3A_181 = vector.broadcast %parallel_loop3A_179 : f32 to vector<16xf32>
        %parallel_loop3A_182 = arith.maximumf %parallel_loop3A_181, %parallel_loop3A_178 : vector<16xf32>
        %parallel_loop3A_183 = vector.broadcast %parallel_loop3A_180 : f32 to vector<16xf32>
        %parallel_loop3A_184 = arith.minimumf %parallel_loop3A_183, %parallel_loop3A_182 : vector<16xf32>
        %parallel_loop3A_185 = math.exp %parallel_loop3A_184 : vector<16xf32>
        %parallel_loop3A_186 = arith.constant 0 : i32
        %parallel_loop3A_187 = arith.constant 4 : i32
        %parallel_loop3A_188 = arith.constant 1 : i32
        scf.for %parallel_loop3A_205 = %parallel_loop3A_186 to %parallel_loop3A_187 step %parallel_loop3A_188  : i32 {
          %parallel_loop3A_206 = arith.constant 4 : i32
          %parallel_loop3A_207 = arith.muli %parallel_loop3A_205, %parallel_loop3A_206 : i32
          %parallel_loop3A_208 = arith.constant 0 : i32
          %parallel_loop3A_209 = arith.addi %parallel_loop3A_207, %parallel_loop3A_208 : i32
          %parallel_loop3A_210 = vector.broadcast %parallel_loop3A_209 : i32 to vector<16xi32>
          %parallel_loop3A_211 = arith.addi %iota3A, %parallel_loop3A_210 : vector<16xi32>
          %parallel_loop3A_212 = arith.constant 15 : i32
          %parallel_loop3A_213 = vector.broadcast %parallel_loop3A_212 : i32 to vector<16xi32>
          %parallel_loop3A_214 = arith.andi %parallel_loop3A_211, %parallel_loop3A_213 : vector<16xi32>
          %parallel_loop3A_215 = arith.constant 0 : i32
          %parallel_loop3A_216 = vector.broadcast %parallel_loop3A_215 : i32 to vector<16xi32>
          %parallel_loop3A_217 = arith.addi %parallel_loop3A_214, %parallel_loop3A_216 : vector<16xi32>
          %parallel_loop3A_218 = arith.constant 128 : i32
          %parallel_loop3A_219 = vector.broadcast %parallel_loop3A_218 : i32 to vector<16xi32>
          %parallel_loop3A_220 = arith.addi %parallel_loop3A_217, %parallel_loop3A_219 : vector<16xi32>
          %parallel_loop3A_221 = tpu.vector_load_idx %arg7[%parallel_loop3A_85, %parallel_loop3A_220] : memref<80x256xf32, #tpu.memory_space<vmem>>[vector<16xi32>, vector<16xi32>], vector<16xf32>,
          %parallel_loop3A_222 = arith.mulf %parallel_loop3A_221, %parallel_loop3A_115 : vector<16xf32>
          tpu.vector_store_idx %arg9[%parallel_loop3A_85, %parallel_loop3A_217], %parallel_loop3A_222 : memref<80x136xf32, #tpu.memory_space<vmem>>[vector<16xi32>, vector<16xi32>], vector<16xf32>,
          %parallel_loop3A_223 = arith.constant 16 : i32
          %parallel_loop3A_224 = vector.broadcast %parallel_loop3A_223 : i32 to vector<16xi32>
          %parallel_loop3A_225 = arith.addi %parallel_loop3A_214, %parallel_loop3A_224 : vector<16xi32>
          %parallel_loop3A_226 = arith.constant 128 : i32
          %parallel_loop3A_227 = vector.broadcast %parallel_loop3A_226 : i32 to vector<16xi32>
          %parallel_loop3A_228 = arith.addi %parallel_loop3A_225, %parallel_loop3A_227 : vector<16xi32>
          %parallel_loop3A_229 = tpu.vector_load_idx %arg7[%parallel_loop3A_85, %parallel_loop3A_228] : memref<80x256xf32, #tpu.memory_space<vmem>>[vector<16xi32>, vector<16xi32>], vector<16xf32>,
          %parallel_loop3A_230 = arith.mulf %parallel_loop3A_229, %parallel_loop3A_125 : vector<16xf32>
          tpu.vector_store_idx %arg9[%parallel_loop3A_85, %parallel_loop3A_225], %parallel_loop3A_230 : memref<80x136xf32, #tpu.memory_space<vmem>>[vector<16xi32>, vector<16xi32>], vector<16xf32>,
          %parallel_loop3A_231 = arith.constant 32 : i32
          %parallel_loop3A_232 = vector.broadcast %parallel_loop3A_231 : i32 to vector<16xi32>
          %parallel_loop3A_233 = arith.addi %parallel_loop3A_214, %parallel_loop3A_232 : vector<16xi32>
          %parallel_loop3A_234 = arith.constant 128 : i32
          %parallel_loop3A_235 = vector.broadcast %parallel_loop3A_234 : i32 to vector<16xi32>
          %parallel_loop3A_236 = arith.addi %parallel_loop3A_233, %parallel_loop3A_235 : vector<16xi32>
          %parallel_loop3A_237 = tpu.vector_load_idx %arg7[%parallel_loop3A_85, %parallel_loop3A_236] : memref<80x256xf32, #tpu.memory_space<vmem>>[vector<16xi32>, vector<16xi32>], vector<16xf32>,
          %parallel_loop3A_238 = arith.mulf %parallel_loop3A_237, %parallel_loop3A_135 : vector<16xf32>
          tpu.vector_store_idx %arg9[%parallel_loop3A_85, %parallel_loop3A_233], %parallel_loop3A_238 : memref<80x136xf32, #tpu.memory_space<vmem>>[vector<16xi32>, vector<16xi32>], vector<16xf32>,
          %parallel_loop3A_239 = arith.constant 48 : i32
          %parallel_loop3A_240 = vector.broadcast %parallel_loop3A_239 : i32 to vector<16xi32>
          %parallel_loop3A_241 = arith.addi %parallel_loop3A_214, %parallel_loop3A_240 : vector<16xi32>
          %parallel_loop3A_242 = arith.constant 128 : i32
          %parallel_loop3A_243 = vector.broadcast %parallel_loop3A_242 : i32 to vector<16xi32>
          %parallel_loop3A_244 = arith.addi %parallel_loop3A_241, %parallel_loop3A_243 : vector<16xi32>
          %parallel_loop3A_245 = tpu.vector_load_idx %arg7[%parallel_loop3A_85, %parallel_loop3A_244] : memref<80x256xf32, #tpu.memory_space<vmem>>[vector<16xi32>, vector<16xi32>], vector<16xf32>,
          %parallel_loop3A_246 = arith.mulf %parallel_loop3A_245, %parallel_loop3A_145 : vector<16xf32>
          tpu.vector_store_idx %arg9[%parallel_loop3A_85, %parallel_loop3A_241], %parallel_loop3A_246 : memref<80x136xf32, #tpu.memory_space<vmem>>[vector<16xi32>, vector<16xi32>], vector<16xf32>,
          %parallel_loop3A_247 = arith.constant 64 : i32
          %parallel_loop3A_248 = vector.broadcast %parallel_loop3A_247 : i32 to vector<16xi32>
          %parallel_loop3A_249 = arith.addi %parallel_loop3A_214, %parallel_loop3A_248 : vector<16xi32>
          %parallel_loop3A_250 = arith.constant 128 : i32
          %parallel_loop3A_251 = vector.broadcast %parallel_loop3A_250 : i32 to vector<16xi32>
          %parallel_loop3A_252 = arith.addi %parallel_loop3A_249, %parallel_loop3A_251 : vector<16xi32>
          %parallel_loop3A_253 = tpu.vector_load_idx %arg7[%parallel_loop3A_85, %parallel_loop3A_252] : memref<80x256xf32, #tpu.memory_space<vmem>>[vector<16xi32>, vector<16xi32>], vector<16xf32>,
          %parallel_loop3A_254 = arith.mulf %parallel_loop3A_253, %parallel_loop3A_155 : vector<16xf32>
          tpu.vector_store_idx %arg9[%parallel_loop3A_85, %parallel_loop3A_249], %parallel_loop3A_254 : memref<80x136xf32, #tpu.memory_space<vmem>>[vector<16xi32>, vector<16xi32>], vector<16xf32>,
          %parallel_loop3A_255 = arith.constant 80 : i32
          %parallel_loop3A_256 = vector.broadcast %parallel_loop3A_255 : i32 to vector<16xi32>
          %parallel_loop3A_257 = arith.addi %parallel_loop3A_214, %parallel_loop3A_256 : vector<16xi32>
          %parallel_loop3A_258 = arith.constant 128 : i32
          %parallel_loop3A_259 = vector.broadcast %parallel_loop3A_258 : i32 to vector<16xi32>
          %parallel_loop3A_260 = arith.addi %parallel_loop3A_257, %parallel_loop3A_259 : vector<16xi32>
          %parallel_loop3A_261 = tpu.vector_load_idx %arg7[%parallel_loop3A_85, %parallel_loop3A_260] : memref<80x256xf32, #tpu.memory_space<vmem>>[vector<16xi32>, vector<16xi32>], vector<16xf32>,
          %parallel_loop3A_262 = arith.mulf %parallel_loop3A_261, %parallel_loop3A_165 : vector<16xf32>
          tpu.vector_store_idx %arg9[%parallel_loop3A_85, %parallel_loop3A_257], %parallel_loop3A_262 : memref<80x136xf32, #tpu.memory_space<vmem>>[vector<16xi32>, vector<16xi32>], vector<16xf32>,
          %parallel_loop3A_263 = arith.constant 96 : i32
          %parallel_loop3A_264 = vector.broadcast %parallel_loop3A_263 : i32 to vector<16xi32>
          %parallel_loop3A_265 = arith.addi %parallel_loop3A_214, %parallel_loop3A_264 : vector<16xi32>
          %parallel_loop3A_266 = arith.constant 128 : i32
          %parallel_loop3A_267 = vector.broadcast %parallel_loop3A_266 : i32 to vector<16xi32>
          %parallel_loop3A_268 = arith.addi %parallel_loop3A_265, %parallel_loop3A_267 : vector<16xi32>
          %parallel_loop3A_269 = tpu.vector_load_idx %arg7[%parallel_loop3A_85, %parallel_loop3A_268] : memref<80x256xf32, #tpu.memory_space<vmem>>[vector<16xi32>, vector<16xi32>], vector<16xf32>,
          %parallel_loop3A_270 = arith.mulf %parallel_loop3A_269, %parallel_loop3A_175 : vector<16xf32>
          tpu.vector_store_idx %arg9[%parallel_loop3A_85, %parallel_loop3A_265], %parallel_loop3A_270 : memref<80x136xf32, #tpu.memory_space<vmem>>[vector<16xi32>, vector<16xi32>], vector<16xf32>,
          %parallel_loop3A_271 = arith.constant 112 : i32
          %parallel_loop3A_272 = vector.broadcast %parallel_loop3A_271 : i32 to vector<16xi32>
          %parallel_loop3A_273 = arith.addi %parallel_loop3A_214, %parallel_loop3A_272 : vector<16xi32>
          %parallel_loop3A_274 = arith.constant 128 : i32
          %parallel_loop3A_275 = vector.broadcast %parallel_loop3A_274 : i32 to vector<16xi32>
          %parallel_loop3A_276 = arith.addi %parallel_loop3A_273, %parallel_loop3A_275 : vector<16xi32>
          %parallel_loop3A_277 = tpu.vector_load_idx %arg7[%parallel_loop3A_85, %parallel_loop3A_276] : memref<80x256xf32, #tpu.memory_space<vmem>>[vector<16xi32>, vector<16xi32>], vector<16xf32>,
          %parallel_loop3A_278 = arith.mulf %parallel_loop3A_277, %parallel_loop3A_185 : vector<16xf32>
          tpu.vector_store_idx %arg9[%parallel_loop3A_85, %parallel_loop3A_273], %parallel_loop3A_278 : memref<80x136xf32, #tpu.memory_space<vmem>>[vector<16xi32>, vector<16xi32>], vector<16xf32>,
          %parallel_loop3A_279 = arith.constant 1 : i32
          %parallel_loop3A_280 = arith.addi %parallel_loop3A_207, %parallel_loop3A_279 : i32
          %parallel_loop3A_281 = vector.broadcast %parallel_loop3A_280 : i32 to vector<16xi32>
          %parallel_loop3A_282 = arith.addi %iota3A, %parallel_loop3A_281 : vector<16xi32>
          %parallel_loop3A_283 = arith.constant 15 : i32
          %parallel_loop3A_284 = vector.broadcast %parallel_loop3A_283 : i32 to vector<16xi32>
          %parallel_loop3A_285 = arith.andi %parallel_loop3A_282, %parallel_loop3A_284 : vector<16xi32>
          %parallel_loop3A_286 = arith.constant 0 : i32
          %parallel_loop3A_287 = vector.broadcast %parallel_loop3A_286 : i32 to vector<16xi32>
          %parallel_loop3A_288 = arith.addi %parallel_loop3A_285, %parallel_loop3A_287 : vector<16xi32>
          %parallel_loop3A_289 = arith.constant 128 : i32
          %parallel_loop3A_290 = vector.broadcast %parallel_loop3A_289 : i32 to vector<16xi32>
          %parallel_loop3A_291 = arith.addi %parallel_loop3A_288, %parallel_loop3A_290 : vector<16xi32>
          %parallel_loop3A_292 = tpu.vector_load_idx %arg7[%parallel_loop3A_85, %parallel_loop3A_291] : memref<80x256xf32, #tpu.memory_space<vmem>>[vector<16xi32>, vector<16xi32>], vector<16xf32>,
          %parallel_loop3A_293 = arith.mulf %parallel_loop3A_292, %parallel_loop3A_115 : vector<16xf32>
          tpu.vector_store_idx %arg9[%parallel_loop3A_85, %parallel_loop3A_288], %parallel_loop3A_293 : memref<80x136xf32, #tpu.memory_space<vmem>>[vector<16xi32>, vector<16xi32>], vector<16xf32>,
          %parallel_loop3A_294 = arith.constant 16 : i32
          %parallel_loop3A_295 = vector.broadcast %parallel_loop3A_294 : i32 to vector<16xi32>
          %parallel_loop3A_296 = arith.addi %parallel_loop3A_285, %parallel_loop3A_295 : vector<16xi32>
          %parallel_loop3A_297 = arith.constant 128 : i32
          %parallel_loop3A_298 = vector.broadcast %parallel_loop3A_297 : i32 to vector<16xi32>
          %parallel_loop3A_299 = arith.addi %parallel_loop3A_296, %parallel_loop3A_298 : vector<16xi32>
          %parallel_loop3A_300 = tpu.vector_load_idx %arg7[%parallel_loop3A_85, %parallel_loop3A_299] : memref<80x256xf32, #tpu.memory_space<vmem>>[vector<16xi32>, vector<16xi32>], vector<16xf32>,
          %parallel_loop3A_301 = arith.mulf %parallel_loop3A_300, %parallel_loop3A_125 : vector<16xf32>
          tpu.vector_store_idx %arg9[%parallel_loop3A_85, %parallel_loop3A_296], %parallel_loop3A_301 : memref<80x136xf32, #tpu.memory_space<vmem>>[vector<16xi32>, vector<16xi32>], vector<16xf32>,
          %parallel_loop3A_302 = arith.constant 32 : i32
          %parallel_loop3A_303 = vector.broadcast %parallel_loop3A_302 : i32 to vector<16xi32>
          %parallel_loop3A_304 = arith.addi %parallel_loop3A_285, %parallel_loop3A_303 : vector<16xi32>
          %parallel_loop3A_305 = arith.constant 128 : i32
          %parallel_loop3A_306 = vector.broadcast %parallel_loop3A_305 : i32 to vector<16xi32>
          %parallel_loop3A_307 = arith.addi %parallel_loop3A_304, %parallel_loop3A_306 : vector<16xi32>
          %parallel_loop3A_308 = tpu.vector_load_idx %arg7[%parallel_loop3A_85, %parallel_loop3A_307] : memref<80x256xf32, #tpu.memory_space<vmem>>[vector<16xi32>, vector<16xi32>], vector<16xf32>,
          %parallel_loop3A_309 = arith.mulf %parallel_loop3A_308, %parallel_loop3A_135 : vector<16xf32>
          tpu.vector_store_idx %arg9[%parallel_loop3A_85, %parallel_loop3A_304], %parallel_loop3A_309 : memref<80x136xf32, #tpu.memory_space<vmem>>[vector<16xi32>, vector<16xi32>], vector<16xf32>,
          %parallel_loop3A_310 = arith.constant 48 : i32
          %parallel_loop3A_311 = vector.broadcast %parallel_loop3A_310 : i32 to vector<16xi32>
          %parallel_loop3A_312 = arith.addi %parallel_loop3A_285, %parallel_loop3A_311 : vector<16xi32>
          %parallel_loop3A_313 = arith.constant 128 : i32
          %parallel_loop3A_314 = vector.broadcast %parallel_loop3A_313 : i32 to vector<16xi32>
          %parallel_loop3A_315 = arith.addi %parallel_loop3A_312, %parallel_loop3A_314 : vector<16xi32>
          %parallel_loop3A_316 = tpu.vector_load_idx %arg7[%parallel_loop3A_85, %parallel_loop3A_315] : memref<80x256xf32, #tpu.memory_space<vmem>>[vector<16xi32>, vector<16xi32>], vector<16xf32>,
          %parallel_loop3A_317 = arith.mulf %parallel_loop3A_316, %parallel_loop3A_145 : vector<16xf32>
          tpu.vector_store_idx %arg9[%parallel_loop3A_85, %parallel_loop3A_312], %parallel_loop3A_317 : memref<80x136xf32, #tpu.memory_space<vmem>>[vector<16xi32>, vector<16xi32>], vector<16xf32>,
          %parallel_loop3A_318 = arith.constant 64 : i32
          %parallel_loop3A_319 = vector.broadcast %parallel_loop3A_318 : i32 to vector<16xi32>
          %parallel_loop3A_320 = arith.addi %parallel_loop3A_285, %parallel_loop3A_319 : vector<16xi32>
          %parallel_loop3A_321 = arith.constant 128 : i32
          %parallel_loop3A_322 = vector.broadcast %parallel_loop3A_321 : i32 to vector<16xi32>
          %parallel_loop3A_323 = arith.addi %parallel_loop3A_320, %parallel_loop3A_322 : vector<16xi32>
          %parallel_loop3A_324 = tpu.vector_load_idx %arg7[%parallel_loop3A_85, %parallel_loop3A_323] : memref<80x256xf32, #tpu.memory_space<vmem>>[vector<16xi32>, vector<16xi32>], vector<16xf32>,
          %parallel_loop3A_325 = arith.mulf %parallel_loop3A_324, %parallel_loop3A_155 : vector<16xf32>
          tpu.vector_store_idx %arg9[%parallel_loop3A_85, %parallel_loop3A_320], %parallel_loop3A_325 : memref<80x136xf32, #tpu.memory_space<vmem>>[vector<16xi32>, vector<16xi32>], vector<16xf32>,
          %parallel_loop3A_326 = arith.constant 80 : i32
          %parallel_loop3A_327 = vector.broadcast %parallel_loop3A_326 : i32 to vector<16xi32>
          %parallel_loop3A_328 = arith.addi %parallel_loop3A_285, %parallel_loop3A_327 : vector<16xi32>
          %parallel_loop3A_329 = arith.constant 128 : i32
          %parallel_loop3A_330 = vector.broadcast %parallel_loop3A_329 : i32 to vector<16xi32>
          %parallel_loop3A_331 = arith.addi %parallel_loop3A_328, %parallel_loop3A_330 : vector<16xi32>
          %parallel_loop3A_332 = tpu.vector_load_idx %arg7[%parallel_loop3A_85, %parallel_loop3A_331] : memref<80x256xf32, #tpu.memory_space<vmem>>[vector<16xi32>, vector<16xi32>], vector<16xf32>,
          %parallel_loop3A_333 = arith.mulf %parallel_loop3A_332, %parallel_loop3A_165 : vector<16xf32>
          tpu.vector_store_idx %arg9[%parallel_loop3A_85, %parallel_loop3A_328], %parallel_loop3A_333 : memref<80x136xf32, #tpu.memory_space<vmem>>[vector<16xi32>, vector<16xi32>], vector<16xf32>,
          %parallel_loop3A_334 = arith.constant 96 : i32
          %parallel_loop3A_335 = vector.broadcast %parallel_loop3A_334 : i32 to vector<16xi32>
          %parallel_loop3A_336 = arith.addi %parallel_loop3A_285, %parallel_loop3A_335 : vector<16xi32>
          %parallel_loop3A_337 = arith.constant 128 : i32
          %parallel_loop3A_338 = vector.broadcast %parallel_loop3A_337 : i32 to vector<16xi32>
          %parallel_loop3A_339 = arith.addi %parallel_loop3A_336, %parallel_loop3A_338 : vector<16xi32>
          %parallel_loop3A_340 = tpu.vector_load_idx %arg7[%parallel_loop3A_85, %parallel_loop3A_339] : memref<80x256xf32, #tpu.memory_space<vmem>>[vector<16xi32>, vector<16xi32>], vector<16xf32>,
          %parallel_loop3A_341 = arith.mulf %parallel_loop3A_340, %parallel_loop3A_175 : vector<16xf32>
          tpu.vector_store_idx %arg9[%parallel_loop3A_85, %parallel_loop3A_336], %parallel_loop3A_341 : memref<80x136xf32, #tpu.memory_space<vmem>>[vector<16xi32>, vector<16xi32>], vector<16xf32>,
          %parallel_loop3A_342 = arith.constant 112 : i32
          %parallel_loop3A_343 = vector.broadcast %parallel_loop3A_342 : i32 to vector<16xi32>
          %parallel_loop3A_344 = arith.addi %parallel_loop3A_285, %parallel_loop3A_343 : vector<16xi32>
          %parallel_loop3A_345 = arith.constant 128 : i32
          %parallel_loop3A_346 = vector.broadcast %parallel_loop3A_345 : i32 to vector<16xi32>
          %parallel_loop3A_347 = arith.addi %parallel_loop3A_344, %parallel_loop3A_346 : vector<16xi32>
          %parallel_loop3A_348 = tpu.vector_load_idx %arg7[%parallel_loop3A_85, %parallel_loop3A_347] : memref<80x256xf32, #tpu.memory_space<vmem>>[vector<16xi32>, vector<16xi32>], vector<16xf32>,
          %parallel_loop3A_349 = arith.mulf %parallel_loop3A_348, %parallel_loop3A_185 : vector<16xf32>
          tpu.vector_store_idx %arg9[%parallel_loop3A_85, %parallel_loop3A_344], %parallel_loop3A_349 : memref<80x136xf32, #tpu.memory_space<vmem>>[vector<16xi32>, vector<16xi32>], vector<16xf32>,
          %parallel_loop3A_350 = arith.constant 2 : i32
          %parallel_loop3A_351 = arith.addi %parallel_loop3A_207, %parallel_loop3A_350 : i32
          %parallel_loop3A_352 = vector.broadcast %parallel_loop3A_351 : i32 to vector<16xi32>
          %parallel_loop3A_353 = arith.addi %iota3A, %parallel_loop3A_352 : vector<16xi32>
          %parallel_loop3A_354 = arith.constant 15 : i32
          %parallel_loop3A_355 = vector.broadcast %parallel_loop3A_354 : i32 to vector<16xi32>
          %parallel_loop3A_356 = arith.andi %parallel_loop3A_353, %parallel_loop3A_355 : vector<16xi32>
          %parallel_loop3A_357 = arith.constant 0 : i32
          %parallel_loop3A_358 = vector.broadcast %parallel_loop3A_357 : i32 to vector<16xi32>
          %parallel_loop3A_359 = arith.addi %parallel_loop3A_356, %parallel_loop3A_358 : vector<16xi32>
          %parallel_loop3A_360 = arith.constant 128 : i32
          %parallel_loop3A_361 = vector.broadcast %parallel_loop3A_360 : i32 to vector<16xi32>
          %parallel_loop3A_362 = arith.addi %parallel_loop3A_359, %parallel_loop3A_361 : vector<16xi32>
          %parallel_loop3A_363 = tpu.vector_load_idx %arg7[%parallel_loop3A_85, %parallel_loop3A_362] : memref<80x256xf32, #tpu.memory_space<vmem>>[vector<16xi32>, vector<16xi32>], vector<16xf32>,
          %parallel_loop3A_364 = arith.mulf %parallel_loop3A_363, %parallel_loop3A_115 : vector<16xf32>
          tpu.vector_store_idx %arg9[%parallel_loop3A_85, %parallel_loop3A_359], %parallel_loop3A_364 : memref<80x136xf32, #tpu.memory_space<vmem>>[vector<16xi32>, vector<16xi32>], vector<16xf32>,
          %parallel_loop3A_365 = arith.constant 16 : i32
          %parallel_loop3A_366 = vector.broadcast %parallel_loop3A_365 : i32 to vector<16xi32>
          %parallel_loop3A_367 = arith.addi %parallel_loop3A_356, %parallel_loop3A_366 : vector<16xi32>
          %parallel_loop3A_368 = arith.constant 128 : i32
          %parallel_loop3A_369 = vector.broadcast %parallel_loop3A_368 : i32 to vector<16xi32>
          %parallel_loop3A_370 = arith.addi %parallel_loop3A_367, %parallel_loop3A_369 : vector<16xi32>
          %parallel_loop3A_371 = tpu.vector_load_idx %arg7[%parallel_loop3A_85, %parallel_loop3A_370] : memref<80x256xf32, #tpu.memory_space<vmem>>[vector<16xi32>, vector<16xi32>], vector<16xf32>,
          %parallel_loop3A_372 = arith.mulf %parallel_loop3A_371, %parallel_loop3A_125 : vector<16xf32>
          tpu.vector_store_idx %arg9[%parallel_loop3A_85, %parallel_loop3A_367], %parallel_loop3A_372 : memref<80x136xf32, #tpu.memory_space<vmem>>[vector<16xi32>, vector<16xi32>], vector<16xf32>,
          %parallel_loop3A_373 = arith.constant 32 : i32
          %parallel_loop3A_374 = vector.broadcast %parallel_loop3A_373 : i32 to vector<16xi32>
          %parallel_loop3A_375 = arith.addi %parallel_loop3A_356, %parallel_loop3A_374 : vector<16xi32>
          %parallel_loop3A_376 = arith.constant 128 : i32
          %parallel_loop3A_377 = vector.broadcast %parallel_loop3A_376 : i32 to vector<16xi32>
          %parallel_loop3A_378 = arith.addi %parallel_loop3A_375, %parallel_loop3A_377 : vector<16xi32>
          %parallel_loop3A_379 = tpu.vector_load_idx %arg7[%parallel_loop3A_85, %parallel_loop3A_378] : memref<80x256xf32, #tpu.memory_space<vmem>>[vector<16xi32>, vector<16xi32>], vector<16xf32>,
          %parallel_loop3A_380 = arith.mulf %parallel_loop3A_379, %parallel_loop3A_135 : vector<16xf32>
          tpu.vector_store_idx %arg9[%parallel_loop3A_85, %parallel_loop3A_375], %parallel_loop3A_380 : memref<80x136xf32, #tpu.memory_space<vmem>>[vector<16xi32>, vector<16xi32>], vector<16xf32>,
          %parallel_loop3A_381 = arith.constant 48 : i32
          %parallel_loop3A_382 = vector.broadcast %parallel_loop3A_381 : i32 to vector<16xi32>
          %parallel_loop3A_383 = arith.addi %parallel_loop3A_356, %parallel_loop3A_382 : vector<16xi32>
          %parallel_loop3A_384 = arith.constant 128 : i32
          %parallel_loop3A_385 = vector.broadcast %parallel_loop3A_384 : i32 to vector<16xi32>
          %parallel_loop3A_386 = arith.addi %parallel_loop3A_383, %parallel_loop3A_385 : vector<16xi32>
          %parallel_loop3A_387 = tpu.vector_load_idx %arg7[%parallel_loop3A_85, %parallel_loop3A_386] : memref<80x256xf32, #tpu.memory_space<vmem>>[vector<16xi32>, vector<16xi32>], vector<16xf32>,
          %parallel_loop3A_388 = arith.mulf %parallel_loop3A_387, %parallel_loop3A_145 : vector<16xf32>
          tpu.vector_store_idx %arg9[%parallel_loop3A_85, %parallel_loop3A_383], %parallel_loop3A_388 : memref<80x136xf32, #tpu.memory_space<vmem>>[vector<16xi32>, vector<16xi32>], vector<16xf32>,
          %parallel_loop3A_389 = arith.constant 64 : i32
          %parallel_loop3A_390 = vector.broadcast %parallel_loop3A_389 : i32 to vector<16xi32>
          %parallel_loop3A_391 = arith.addi %parallel_loop3A_356, %parallel_loop3A_390 : vector<16xi32>
          %parallel_loop3A_392 = arith.constant 128 : i32
          %parallel_loop3A_393 = vector.broadcast %parallel_loop3A_392 : i32 to vector<16xi32>
          %parallel_loop3A_394 = arith.addi %parallel_loop3A_391, %parallel_loop3A_393 : vector<16xi32>
          %parallel_loop3A_395 = tpu.vector_load_idx %arg7[%parallel_loop3A_85, %parallel_loop3A_394] : memref<80x256xf32, #tpu.memory_space<vmem>>[vector<16xi32>, vector<16xi32>], vector<16xf32>,
          %parallel_loop3A_396 = arith.mulf %parallel_loop3A_395, %parallel_loop3A_155 : vector<16xf32>
          tpu.vector_store_idx %arg9[%parallel_loop3A_85, %parallel_loop3A_391], %parallel_loop3A_396 : memref<80x136xf32, #tpu.memory_space<vmem>>[vector<16xi32>, vector<16xi32>], vector<16xf32>,
          %parallel_loop3A_397 = arith.constant 80 : i32
          %parallel_loop3A_398 = vector.broadcast %parallel_loop3A_397 : i32 to vector<16xi32>
          %parallel_loop3A_399 = arith.addi %parallel_loop3A_356, %parallel_loop3A_398 : vector<16xi32>
          %parallel_loop3A_400 = arith.constant 128 : i32
          %parallel_loop3A_401 = vector.broadcast %parallel_loop3A_400 : i32 to vector<16xi32>
          %parallel_loop3A_402 = arith.addi %parallel_loop3A_399, %parallel_loop3A_401 : vector<16xi32>
          %parallel_loop3A_403 = tpu.vector_load_idx %arg7[%parallel_loop3A_85, %parallel_loop3A_402] : memref<80x256xf32, #tpu.memory_space<vmem>>[vector<16xi32>, vector<16xi32>], vector<16xf32>,
          %parallel_loop3A_404 = arith.mulf %parallel_loop3A_403, %parallel_loop3A_165 : vector<16xf32>
          tpu.vector_store_idx %arg9[%parallel_loop3A_85, %parallel_loop3A_399], %parallel_loop3A_404 : memref<80x136xf32, #tpu.memory_space<vmem>>[vector<16xi32>, vector<16xi32>], vector<16xf32>,
          %parallel_loop3A_405 = arith.constant 96 : i32
          %parallel_loop3A_406 = vector.broadcast %parallel_loop3A_405 : i32 to vector<16xi32>
          %parallel_loop3A_407 = arith.addi %parallel_loop3A_356, %parallel_loop3A_406 : vector<16xi32>
          %parallel_loop3A_408 = arith.constant 128 : i32
          %parallel_loop3A_409 = vector.broadcast %parallel_loop3A_408 : i32 to vector<16xi32>
          %parallel_loop3A_410 = arith.addi %parallel_loop3A_407, %parallel_loop3A_409 : vector<16xi32>
          %parallel_loop3A_411 = tpu.vector_load_idx %arg7[%parallel_loop3A_85, %parallel_loop3A_410] : memref<80x256xf32, #tpu.memory_space<vmem>>[vector<16xi32>, vector<16xi32>], vector<16xf32>,
          %parallel_loop3A_412 = arith.mulf %parallel_loop3A_411, %parallel_loop3A_175 : vector<16xf32>
          tpu.vector_store_idx %arg9[%parallel_loop3A_85, %parallel_loop3A_407], %parallel_loop3A_412 : memref<80x136xf32, #tpu.memory_space<vmem>>[vector<16xi32>, vector<16xi32>], vector<16xf32>,
          %parallel_loop3A_413 = arith.constant 112 : i32
          %parallel_loop3A_414 = vector.broadcast %parallel_loop3A_413 : i32 to vector<16xi32>
          %parallel_loop3A_415 = arith.addi %parallel_loop3A_356, %parallel_loop3A_414 : vector<16xi32>
          %parallel_loop3A_416 = arith.constant 128 : i32
          %parallel_loop3A_417 = vector.broadcast %parallel_loop3A_416 : i32 to vector<16xi32>
          %parallel_loop3A_418 = arith.addi %parallel_loop3A_415, %parallel_loop3A_417 : vector<16xi32>
          %parallel_loop3A_419 = tpu.vector_load_idx %arg7[%parallel_loop3A_85, %parallel_loop3A_418] : memref<80x256xf32, #tpu.memory_space<vmem>>[vector<16xi32>, vector<16xi32>], vector<16xf32>,
          %parallel_loop3A_420 = arith.mulf %parallel_loop3A_419, %parallel_loop3A_185 : vector<16xf32>
          tpu.vector_store_idx %arg9[%parallel_loop3A_85, %parallel_loop3A_415], %parallel_loop3A_420 : memref<80x136xf32, #tpu.memory_space<vmem>>[vector<16xi32>, vector<16xi32>], vector<16xf32>,
          %parallel_loop3A_421 = arith.constant 3 : i32
          %parallel_loop3A_422 = arith.addi %parallel_loop3A_207, %parallel_loop3A_421 : i32
          %parallel_loop3A_423 = vector.broadcast %parallel_loop3A_422 : i32 to vector<16xi32>
          %parallel_loop3A_424 = arith.addi %iota3A, %parallel_loop3A_423 : vector<16xi32>
          %parallel_loop3A_425 = arith.constant 15 : i32
          %parallel_loop3A_426 = vector.broadcast %parallel_loop3A_425 : i32 to vector<16xi32>
          %parallel_loop3A_427 = arith.andi %parallel_loop3A_424, %parallel_loop3A_426 : vector<16xi32>
          %parallel_loop3A_428 = arith.constant 0 : i32
          %parallel_loop3A_429 = vector.broadcast %parallel_loop3A_428 : i32 to vector<16xi32>
          %parallel_loop3A_430 = arith.addi %parallel_loop3A_427, %parallel_loop3A_429 : vector<16xi32>
          %parallel_loop3A_431 = arith.constant 128 : i32
          %parallel_loop3A_432 = vector.broadcast %parallel_loop3A_431 : i32 to vector<16xi32>
          %parallel_loop3A_433 = arith.addi %parallel_loop3A_430, %parallel_loop3A_432 : vector<16xi32>
          %parallel_loop3A_434 = tpu.vector_load_idx %arg7[%parallel_loop3A_85, %parallel_loop3A_433] : memref<80x256xf32, #tpu.memory_space<vmem>>[vector<16xi32>, vector<16xi32>], vector<16xf32>,
          %parallel_loop3A_435 = arith.mulf %parallel_loop3A_434, %parallel_loop3A_115 : vector<16xf32>
          tpu.vector_store_idx %arg9[%parallel_loop3A_85, %parallel_loop3A_430], %parallel_loop3A_435 : memref<80x136xf32, #tpu.memory_space<vmem>>[vector<16xi32>, vector<16xi32>], vector<16xf32>,
          %parallel_loop3A_436 = arith.constant 16 : i32
          %parallel_loop3A_437 = vector.broadcast %parallel_loop3A_436 : i32 to vector<16xi32>
          %parallel_loop3A_438 = arith.addi %parallel_loop3A_427, %parallel_loop3A_437 : vector<16xi32>
          %parallel_loop3A_439 = arith.constant 128 : i32
          %parallel_loop3A_440 = vector.broadcast %parallel_loop3A_439 : i32 to vector<16xi32>
          %parallel_loop3A_441 = arith.addi %parallel_loop3A_438, %parallel_loop3A_440 : vector<16xi32>
          %parallel_loop3A_442 = tpu.vector_load_idx %arg7[%parallel_loop3A_85, %parallel_loop3A_441] : memref<80x256xf32, #tpu.memory_space<vmem>>[vector<16xi32>, vector<16xi32>], vector<16xf32>,
          %parallel_loop3A_443 = arith.mulf %parallel_loop3A_442, %parallel_loop3A_125 : vector<16xf32>
          tpu.vector_store_idx %arg9[%parallel_loop3A_85, %parallel_loop3A_438], %parallel_loop3A_443 : memref<80x136xf32, #tpu.memory_space<vmem>>[vector<16xi32>, vector<16xi32>], vector<16xf32>,
          %parallel_loop3A_444 = arith.constant 32 : i32
          %parallel_loop3A_445 = vector.broadcast %parallel_loop3A_444 : i32 to vector<16xi32>
          %parallel_loop3A_446 = arith.addi %parallel_loop3A_427, %parallel_loop3A_445 : vector<16xi32>
          %parallel_loop3A_447 = arith.constant 128 : i32
          %parallel_loop3A_448 = vector.broadcast %parallel_loop3A_447 : i32 to vector<16xi32>
          %parallel_loop3A_449 = arith.addi %parallel_loop3A_446, %parallel_loop3A_448 : vector<16xi32>
          %parallel_loop3A_450 = tpu.vector_load_idx %arg7[%parallel_loop3A_85, %parallel_loop3A_449] : memref<80x256xf32, #tpu.memory_space<vmem>>[vector<16xi32>, vector<16xi32>], vector<16xf32>,
          %parallel_loop3A_451 = arith.mulf %parallel_loop3A_450, %parallel_loop3A_135 : vector<16xf32>
          tpu.vector_store_idx %arg9[%parallel_loop3A_85, %parallel_loop3A_446], %parallel_loop3A_451 : memref<80x136xf32, #tpu.memory_space<vmem>>[vector<16xi32>, vector<16xi32>], vector<16xf32>,
          %parallel_loop3A_452 = arith.constant 48 : i32
          %parallel_loop3A_453 = vector.broadcast %parallel_loop3A_452 : i32 to vector<16xi32>
          %parallel_loop3A_454 = arith.addi %parallel_loop3A_427, %parallel_loop3A_453 : vector<16xi32>
          %parallel_loop3A_455 = arith.constant 128 : i32
          %parallel_loop3A_456 = vector.broadcast %parallel_loop3A_455 : i32 to vector<16xi32>
          %parallel_loop3A_457 = arith.addi %parallel_loop3A_454, %parallel_loop3A_456 : vector<16xi32>
          %parallel_loop3A_458 = tpu.vector_load_idx %arg7[%parallel_loop3A_85, %parallel_loop3A_457] : memref<80x256xf32, #tpu.memory_space<vmem>>[vector<16xi32>, vector<16xi32>], vector<16xf32>,
          %parallel_loop3A_459 = arith.mulf %parallel_loop3A_458, %parallel_loop3A_145 : vector<16xf32>
          tpu.vector_store_idx %arg9[%parallel_loop3A_85, %parallel_loop3A_454], %parallel_loop3A_459 : memref<80x136xf32, #tpu.memory_space<vmem>>[vector<16xi32>, vector<16xi32>], vector<16xf32>,
          %parallel_loop3A_460 = arith.constant 64 : i32
          %parallel_loop3A_461 = vector.broadcast %parallel_loop3A_460 : i32 to vector<16xi32>
          %parallel_loop3A_462 = arith.addi %parallel_loop3A_427, %parallel_loop3A_461 : vector<16xi32>
          %parallel_loop3A_463 = arith.constant 128 : i32
          %parallel_loop3A_464 = vector.broadcast %parallel_loop3A_463 : i32 to vector<16xi32>
          %parallel_loop3A_465 = arith.addi %parallel_loop3A_462, %parallel_loop3A_464 : vector<16xi32>
          %parallel_loop3A_466 = tpu.vector_load_idx %arg7[%parallel_loop3A_85, %parallel_loop3A_465] : memref<80x256xf32, #tpu.memory_space<vmem>>[vector<16xi32>, vector<16xi32>], vector<16xf32>,
          %parallel_loop3A_467 = arith.mulf %parallel_loop3A_466, %parallel_loop3A_155 : vector<16xf32>
          tpu.vector_store_idx %arg9[%parallel_loop3A_85, %parallel_loop3A_462], %parallel_loop3A_467 : memref<80x136xf32, #tpu.memory_space<vmem>>[vector<16xi32>, vector<16xi32>], vector<16xf32>,
          %parallel_loop3A_468 = arith.constant 80 : i32
          %parallel_loop3A_469 = vector.broadcast %parallel_loop3A_468 : i32 to vector<16xi32>
          %parallel_loop3A_470 = arith.addi %parallel_loop3A_427, %parallel_loop3A_469 : vector<16xi32>
          %parallel_loop3A_471 = arith.constant 128 : i32
          %parallel_loop3A_472 = vector.broadcast %parallel_loop3A_471 : i32 to vector<16xi32>
          %parallel_loop3A_473 = arith.addi %parallel_loop3A_470, %parallel_loop3A_472 : vector<16xi32>
          %parallel_loop3A_474 = tpu.vector_load_idx %arg7[%parallel_loop3A_85, %parallel_loop3A_473] : memref<80x256xf32, #tpu.memory_space<vmem>>[vector<16xi32>, vector<16xi32>], vector<16xf32>,
          %parallel_loop3A_475 = arith.mulf %parallel_loop3A_474, %parallel_loop3A_165 : vector<16xf32>
          tpu.vector_store_idx %arg9[%parallel_loop3A_85, %parallel_loop3A_470], %parallel_loop3A_475 : memref<80x136xf32, #tpu.memory_space<vmem>>[vector<16xi32>, vector<16xi32>], vector<16xf32>,
          %parallel_loop3A_476 = arith.constant 96 : i32
          %parallel_loop3A_477 = vector.broadcast %parallel_loop3A_476 : i32 to vector<16xi32>
          %parallel_loop3A_478 = arith.addi %parallel_loop3A_427, %parallel_loop3A_477 : vector<16xi32>
          %parallel_loop3A_479 = arith.constant 128 : i32
          %parallel_loop3A_480 = vector.broadcast %parallel_loop3A_479 : i32 to vector<16xi32>
          %parallel_loop3A_481 = arith.addi %parallel_loop3A_478, %parallel_loop3A_480 : vector<16xi32>
          %parallel_loop3A_482 = tpu.vector_load_idx %arg7[%parallel_loop3A_85, %parallel_loop3A_481] : memref<80x256xf32, #tpu.memory_space<vmem>>[vector<16xi32>, vector<16xi32>], vector<16xf32>,
          %parallel_loop3A_483 = arith.mulf %parallel_loop3A_482, %parallel_loop3A_175 : vector<16xf32>
          tpu.vector_store_idx %arg9[%parallel_loop3A_85, %parallel_loop3A_478], %parallel_loop3A_483 : memref<80x136xf32, #tpu.memory_space<vmem>>[vector<16xi32>, vector<16xi32>], vector<16xf32>,
          %parallel_loop3A_484 = arith.constant 112 : i32
          %parallel_loop3A_485 = vector.broadcast %parallel_loop3A_484 : i32 to vector<16xi32>
          %parallel_loop3A_486 = arith.addi %parallel_loop3A_427, %parallel_loop3A_485 : vector<16xi32>
          %parallel_loop3A_487 = arith.constant 128 : i32
          %parallel_loop3A_488 = vector.broadcast %parallel_loop3A_487 : i32 to vector<16xi32>
          %parallel_loop3A_489 = arith.addi %parallel_loop3A_486, %parallel_loop3A_488 : vector<16xi32>
          %parallel_loop3A_490 = tpu.vector_load_idx %arg7[%parallel_loop3A_85, %parallel_loop3A_489] : memref<80x256xf32, #tpu.memory_space<vmem>>[vector<16xi32>, vector<16xi32>], vector<16xf32>,
          %parallel_loop3A_491 = arith.mulf %parallel_loop3A_490, %parallel_loop3A_185 : vector<16xf32>
          tpu.vector_store_idx %arg9[%parallel_loop3A_85, %parallel_loop3A_486], %parallel_loop3A_491 : memref<80x136xf32, #tpu.memory_space<vmem>>[vector<16xi32>, vector<16xi32>], vector<16xf32>,
        } {sc.loop_unroll_factor = 1 : i64, sc.parallel_access}
        %parallel_loop3A_189 = arith.constant 128 : i32
        %parallel_loop3A_190 = vector.broadcast %parallel_loop3A_189 : i32 to vector<16xi32>
        tpu.vector_store_idx %arg9[%parallel_loop3A_85, %parallel_loop3A_190], %parallel_loop3A_115 : memref<80x136xf32, #tpu.memory_space<vmem>>[vector<16xi32>, vector<16xi32>], vector<16xf32>,
        %parallel_loop3A_191 = arith.constant 129 : i32
        %parallel_loop3A_192 = vector.broadcast %parallel_loop3A_191 : i32 to vector<16xi32>
        tpu.vector_store_idx %arg9[%parallel_loop3A_85, %parallel_loop3A_192], %parallel_loop3A_125 : memref<80x136xf32, #tpu.memory_space<vmem>>[vector<16xi32>, vector<16xi32>], vector<16xf32>,
        %parallel_loop3A_193 = arith.constant 130 : i32
        %parallel_loop3A_194 = vector.broadcast %parallel_loop3A_193 : i32 to vector<16xi32>
        tpu.vector_store_idx %arg9[%parallel_loop3A_85, %parallel_loop3A_194], %parallel_loop3A_135 : memref<80x136xf32, #tpu.memory_space<vmem>>[vector<16xi32>, vector<16xi32>], vector<16xf32>,
        %parallel_loop3A_195 = arith.constant 131 : i32
        %parallel_loop3A_196 = vector.broadcast %parallel_loop3A_195 : i32 to vector<16xi32>
        tpu.vector_store_idx %arg9[%parallel_loop3A_85, %parallel_loop3A_196], %parallel_loop3A_145 : memref<80x136xf32, #tpu.memory_space<vmem>>[vector<16xi32>, vector<16xi32>], vector<16xf32>,
        %parallel_loop3A_197 = arith.constant 132 : i32
        %parallel_loop3A_198 = vector.broadcast %parallel_loop3A_197 : i32 to vector<16xi32>
        tpu.vector_store_idx %arg9[%parallel_loop3A_85, %parallel_loop3A_198], %parallel_loop3A_155 : memref<80x136xf32, #tpu.memory_space<vmem>>[vector<16xi32>, vector<16xi32>], vector<16xf32>,
        %parallel_loop3A_199 = arith.constant 133 : i32
        %parallel_loop3A_200 = vector.broadcast %parallel_loop3A_199 : i32 to vector<16xi32>
        tpu.vector_store_idx %arg9[%parallel_loop3A_85, %parallel_loop3A_200], %parallel_loop3A_165 : memref<80x136xf32, #tpu.memory_space<vmem>>[vector<16xi32>, vector<16xi32>], vector<16xf32>,
        %parallel_loop3A_201 = arith.constant 134 : i32
        %parallel_loop3A_202 = vector.broadcast %parallel_loop3A_201 : i32 to vector<16xi32>
        tpu.vector_store_idx %arg9[%parallel_loop3A_85, %parallel_loop3A_202], %parallel_loop3A_175 : memref<80x136xf32, #tpu.memory_space<vmem>>[vector<16xi32>, vector<16xi32>], vector<16xf32>,
        %parallel_loop3A_203 = arith.constant 135 : i32
        %parallel_loop3A_204 = vector.broadcast %parallel_loop3A_203 : i32 to vector<16xi32>
        tpu.vector_store_idx %arg9[%parallel_loop3A_85, %parallel_loop3A_204], %parallel_loop3A_185 : memref<80x136xf32, #tpu.memory_space<vmem>>[vector<16xi32>, vector<16xi32>], vector<16xf32>,
      } {sc.loop_unroll_factor = 1 : i64, sc.parallel_access}
      %run_scoped3A = arith.constant 1 : i32
      "tpu.region"() ({
        %run_scoped3A_81 = tpu.sem_alloc : memref<!tpu.dma_semaphore, #tpu.memory_space<semaphore_mem>>
        %dma_start3A_82 = arith.constant 0 : i32
        %dma_start3A_83 = tpu.memref_slice %arg6[%run_scoped3A, %dma_start3A_82] : memref<2x80xi32, #tpu.memory_space<vmem>> -> memref<1x80xi32, #tpu.memory_space<vmem>>
        %dma_start3A_84 = tpu.memref_squeeze %dma_start3A_83 : memref<1x80xi32, #tpu.memory_space<vmem>> -> memref<80xi32, #tpu.memory_space<vmem>>
        %dma_start3A_85 = arith.constant 0 : i32
        %dma_start3A_86 = arith.constant 0 : i32
        %dma_start3A_87 = tpu.memref_slice %arg10[%dma_start3A_85, %dma_start3A_86] : memref<10240x136xf32, #tpu.memory_space<vmem_shared>> -> memref<10240x136xf32, #tpu.memory_space<vmem_shared>>
        tpu.enqueue_indirect_dma source(%arg9 : memref<80x136xf32, #tpu.memory_space<vmem>>) target(%dma_start3A_87 : memref<10240x136xf32, #tpu.memory_space<vmem_shared>>) offsets(%dma_start3A_84 : memref<80xi32, #tpu.memory_space<vmem>>) semaphore(%run_scoped3A_81 : memref<!tpu.dma_semaphore, #tpu.memory_space<semaphore_mem>>) {add = true}
        %dma_wait3A_88 = arith.constant 0 : i32
        %dma_wait3A_89 = tpu.memref_slice %arg6[%run_scoped3A, %dma_wait3A_88] : memref<2x80xi32, #tpu.memory_space<vmem>> -> memref<1x80xi32, #tpu.memory_space<vmem>>
        %dma_wait3A_90 = tpu.memref_squeeze %dma_wait3A_89 : memref<1x80xi32, #tpu.memory_space<vmem>> -> memref<80xi32, #tpu.memory_space<vmem>>
        %dma_wait3A_91 = arith.constant 0 : i32
        %dma_wait3A_92 = arith.constant 0 : i32
        %dma_wait3A_93 = tpu.memref_slice %arg10[%dma_wait3A_91, %dma_wait3A_92] : memref<10240x136xf32, #tpu.memory_space<vmem_shared>> -> memref<10240x136xf32, #tpu.memory_space<vmem_shared>>
        tpu.wait_indirect_dma semaphore(%run_scoped3A_81 : memref<!tpu.dma_semaphore, #tpu.memory_space<semaphore_mem>>) src(%arg9 : memref<80x136xf32, #tpu.memory_space<vmem>>) dst(%dma_wait3A_93 : memref<10240x136xf32, #tpu.memory_space<vmem_shared>>)
        tpu.yield
      }) : () -> ()
    }
    %scan3A_45 = arith.constant 125 : i32
    %barrier3A_46 = arith.constant 0 : index
    tpu.barrier barrier_id(%barrier3A_46)
    %mul3A_47 = arith.constant 640 : i32
    %mul3A_48 = arith.muli %arg1, %mul3A_47 : i32
    %mul3A_49 = arith.constant 640 : i32
    %mul3A_50 = arith.muli %arg1, %mul3A_49 : i32
    "tpu.region"() ({
      %run_scoped3A = tpu.sem_alloc : memref<!tpu.dma_semaphore, #tpu.memory_space<semaphore_mem>>
      %dma_start3A = arith.constant 0 : i32
      %dma_start3A_51 = tpu.memref_slice %arg5[%arg0, %mul3A_50, %dma_start3A] : memref<2x10240x136xf32, #tpu.memory_space<hbm>> -> memref<1x640x136xf32, #tpu.memory_space<hbm>>
      %dma_start3A_52 = tpu.memref_squeeze %dma_start3A_51 : memref<1x640x136xf32, #tpu.memory_space<hbm>> -> memref<640x136xf32, #tpu.memory_space<hbm>>
      %dma_start3A_53 = arith.constant 0 : i32
      %dma_start3A_54 = tpu.memref_slice %arg10[%mul3A_48, %dma_start3A_53] : memref<10240x136xf32, #tpu.memory_space<vmem_shared>> -> memref<640x136xf32, #tpu.memory_space<vmem_shared>>
      tpu.enqueue_dma source(%dma_start3A_54 : memref<640x136xf32, #tpu.memory_space<vmem_shared>>) target(%dma_start3A_52 : memref<640x136xf32, #tpu.memory_space<hbm>>) target_semaphore(%run_scoped3A : memref<!tpu.dma_semaphore, #tpu.memory_space<semaphore_mem>>)
      %dma_wait3A = arith.constant 0 : i32
      %dma_wait3A_55 = tpu.memref_slice %arg5[%arg0, %mul3A_50, %dma_wait3A] : memref<2x10240x136xf32, #tpu.memory_space<hbm>> -> memref<1x640x136xf32, #tpu.memory_space<hbm>>
      %dma_wait3A_56 = tpu.memref_squeeze %dma_wait3A_55 : memref<1x640x136xf32, #tpu.memory_space<hbm>> -> memref<640x136xf32, #tpu.memory_space<hbm>>
      %dma_wait3A_57 = arith.constant 0 : i32
      %dma_wait3A_58 = tpu.memref_slice %arg10[%mul3A_48, %dma_wait3A_57] : memref<10240x136xf32, #tpu.memory_space<vmem_shared>> -> memref<640x136xf32, #tpu.memory_space<vmem_shared>>
      tpu.wait_dma2 semaphore(%run_scoped3A : memref<!tpu.dma_semaphore, #tpu.memory_space<semaphore_mem>>) src(%dma_wait3A_58 : memref<640x136xf32, #tpu.memory_space<vmem_shared>>) dst(%dma_wait3A_56 : memref<640x136xf32, #tpu.memory_space<hbm>>)
      tpu.yield
    }) : () -> ()
    return
  }
}

module attributes {stable_mosaic.version = 14 : i64} {
  func.func @_proj_body(%arg0: i32, %arg1: memref<1000x128xf32, #tpu.memory_space<vmem>>, %arg2: memref<128x128xf32, #tpu.memory_space<vmem>>, %arg3: memref<128x256xf32, #tpu.memory_space<vmem>>, %arg4: memref<1000x128xf32, #tpu.memory_space<vmem>>, %arg5: memref<1000x256xf32, #tpu.memory_space<vmem>>) attributes {dimension_semantics = [#tpu.dimension_semantics<arbitrary>], iteration_bounds = array<i64: 10>, scalar_prefetch = 0 : i64, scratch_operands = 0 : i64, tpu.core_type = #tpu.core_type<tc>, window_params = [{transform_indices = @transform_0, window_bounds = array<i64: 1000, 128>}, {pipeline_mode = #tpu.pipeline_mode<synchronous>, transform_indices = @transform_1, window_bounds = array<i64: 128, 128>}, {pipeline_mode = #tpu.pipeline_mode<synchronous>, transform_indices = @transform_2, window_bounds = array<i64: 128, 256>}, {transform_indices = @transform_3, window_bounds = array<i64: 1000, 128>}, {transform_indices = @transform_4, window_bounds = array<i64: 1000, 256>}]} {
    %get3A = arith.constant 0 : index
    %get3A_0 = arith.constant 0 : index
    %get3A_1 = vector.load %arg1[%get3A, %get3A_0] : memref<1000x128xf32, #tpu.memory_space<vmem>>, vector<1000x128xf32>
    %get3A_2 = arith.constant 0 : index
    %get3A_3 = arith.constant 0 : index
    %get3A_4 = vector.load %arg2[%get3A_2, %get3A_3] : memref<128x128xf32, #tpu.memory_space<vmem>>, vector<128x128xf32>
    %dot_general3A = arith.constant dense<0.000000e+00> : vector<1000x128xf32>
    %dot_general3A_5 = tpu.matmul %get3A_1, %get3A_4, %dot_general3A {dimension_numbers = #tpu.dot_dimension_numbers<[1], [0], [0], [1], [0, 0, 1, 1], [], []>, transpose_lhs_hint = false} : vector<1000x128xf32>, vector<128x128xf32>, vector<1000x128xf32> -> vector<1000x128xf32>
    %swap3A = arith.constant 0 : index
    %swap3A_6 = arith.constant 0 : index
    %swap3A_7 = vector.load %arg4[%swap3A, %swap3A_6] : memref<1000x128xf32, #tpu.memory_space<vmem>>, vector<1000x128xf32>
    tpu.vector_store %arg4[%swap3A, %swap3A_6], %dot_general3A_5 {strides = array<i32>} : memref<1000x128xf32, #tpu.memory_space<vmem>>, vector<1000x128xf32>,
    %get3A_8 = arith.constant 0 : index
    %get3A_9 = arith.constant 0 : index
    %get3A_10 = vector.load %arg3[%get3A_8, %get3A_9] : memref<128x256xf32, #tpu.memory_space<vmem>>, vector<128x256xf32>
    %dot_general3A_11 = arith.constant dense<0.000000e+00> : vector<1000x256xf32>
    %dot_general3A_12 = tpu.matmul %get3A_1, %get3A_10, %dot_general3A_11 {dimension_numbers = #tpu.dot_dimension_numbers<[1], [0], [0], [1], [0, 0, 1, 1], [], []>, transpose_lhs_hint = false} : vector<1000x128xf32>, vector<128x256xf32>, vector<1000x256xf32> -> vector<1000x256xf32>
    %swap3A_13 = arith.constant 0 : index
    %swap3A_14 = arith.constant 0 : index
    %swap3A_15 = vector.load %arg5[%swap3A_13, %swap3A_14] : memref<1000x256xf32, #tpu.memory_space<vmem>>, vector<1000x256xf32>
    tpu.vector_store %arg5[%swap3A_13, %swap3A_14], %dot_general3A_12 {strides = array<i32>} : memref<1000x256xf32, #tpu.memory_space<vmem>>, vector<1000x256xf32>,
    return
  }
  func.func @transform_0(%arg0: i32) -> (i32, i32) {
    %c0_i32 = arith.constant 0 : i32
    %c0_i32_0 = arith.constant 0 : i32
    return %arg0, %c0_i32 : i32, i32
  }
  func.func @transform_1(%arg0: i32) -> (i32, i32) {
    %c0_i32 = arith.constant 0 : i32
    %c0_i32_0 = arith.constant 0 : i32
    %c0_i32_1 = arith.constant 0 : i32
    return %c0_i32, %c0_i32_0 : i32, i32
  }
  func.func @transform_2(%arg0: i32) -> (i32, i32) {
    %c0_i32 = arith.constant 0 : i32
    %c0_i32_0 = arith.constant 0 : i32
    %c0_i32_1 = arith.constant 0 : i32
    return %c0_i32, %c0_i32_0 : i32, i32
  }
  func.func @transform_3(%arg0: i32) -> (i32, i32) {
    %c0_i32 = arith.constant 0 : i32
    %c0_i32_0 = arith.constant 0 : i32
    return %arg0, %c0_i32 : i32, i32
  }
  func.func @transform_4(%arg0: i32) -> (i32, i32) {
    %c0_i32 = arith.constant 0 : i32
    %c0_i32_0 = arith.constant 0 : i32
    return %arg0, %c0_i32 : i32, i32
  }
}

module attributes {stable_mosaic.version = 14 : i64} {
  func.func @_final_body(%arg0: i32, %arg1: memref<2x1000x136xf32, #tpu.memory_space<vmem>>, %arg2: memref<1000x128xf32, #tpu.memory_space<vmem>>) attributes {dimension_semantics = [#tpu.dimension_semantics<arbitrary>], iteration_bounds = array<i64: 10>, scalar_prefetch = 0 : i64, scratch_operands = 0 : i64, tpu.core_type = #tpu.core_type<tc>, window_params = [{transform_indices = @transform_0, window_bounds = array<i64: 2, 1000, 136>}, {transform_indices = @transform_1, window_bounds = array<i64: 1000, 128>}]} {
    %get3A = arith.constant 0 : index
    %get3A_0 = arith.constant 0 : index
    %get3A_1 = arith.constant 0 : index
    %get3A_2 = vector.load %arg1[%get3A, %get3A_0, %get3A_1] : memref<2x1000x136xf32, #tpu.memory_space<vmem>>, vector<1x1000x136xf32>
    %get3A_3 = vector.shape_cast %get3A_2 : vector<1x1000x136xf32> to vector<1000x136xf32>
    %get3A_4 = arith.constant 1 : index
    %get3A_5 = arith.constant 0 : index
    %get3A_6 = arith.constant 0 : index
    %get3A_7 = vector.load %arg1[%get3A_4, %get3A_5, %get3A_6] : memref<2x1000x136xf32, #tpu.memory_space<vmem>>, vector<1x1000x136xf32>
    %get3A_8 = vector.shape_cast %get3A_7 : vector<1x1000x136xf32> to vector<1000x136xf32>
    %add3A = arith.addf %get3A_3, %get3A_8 : vector<1000x136xf32>
    %slice3A = vector.extract_strided_slice %add3A {offsets = [0, 128], sizes = [1000, 8], strides = [1, 1]} : vector<1000x136xf32> to vector<1000x8xf32>
    %gt3A = arith.constant 0.000000e+00 : f32
    %gt3A_9 = vector.broadcast %gt3A : f32 to vector<1000x8xf32>
    %gt3A_10 = arith.cmpf ogt, %slice3A, %gt3A_9 : vector<1000x8xf32>
    %div3A = arith.constant 1.000000e+00 : f32
    %div3A_11 = vector.broadcast %div3A : f32 to vector<1000x8xf32>
    %div3A_12 = arith.divf %div3A_11, %slice3A : vector<1000x8xf32>
    %jit3A = arith.constant 0.000000e+00 : f32
    %broadcast_in_dim3A = vector.broadcast %jit3A : f32 to vector<1000x8xf32>
    %select_n3A = arith.select %gt3A_10, %div3A_12, %broadcast_in_dim3A : vector<1000x8xi1>, vector<1000x8xf32>
    %slice3A_13 = vector.extract_strided_slice %add3A {offsets = [0, 0], sizes = [1000, 16], strides = [1, 1]} : vector<1000x136xf32> to vector<1000x16xf32>
    %slice3A_14 = vector.extract_strided_slice %select_n3A {offsets = [0, 0], sizes = [1000, 1], strides = [1, 1]} : vector<1000x8xf32> to vector<1000x1xf32>
    %mul3A = vector.broadcast %slice3A_14 : vector<1000x1xf32> to vector<1000x16xf32>
    %mul3A_15 = arith.mulf %slice3A_13, %mul3A : vector<1000x16xf32>
    %swap3A = arith.constant 0 : index
    %swap3A_16 = arith.constant 0 : index
    %swap3A_17 = vector.load %arg2[%swap3A, %swap3A_16] : memref<1000x128xf32, #tpu.memory_space<vmem>>, vector<1000x16xf32>
    tpu.vector_store %arg2[%swap3A, %swap3A_16], %mul3A_15 {strides = array<i32>} : memref<1000x128xf32, #tpu.memory_space<vmem>>, vector<1000x16xf32>,
    %slice3A_18 = vector.extract_strided_slice %add3A {offsets = [0, 16], sizes = [1000, 16], strides = [1, 1]} : vector<1000x136xf32> to vector<1000x16xf32>
    %slice3A_19 = vector.extract_strided_slice %select_n3A {offsets = [0, 1], sizes = [1000, 1], strides = [1, 1]} : vector<1000x8xf32> to vector<1000x1xf32>
    %mul3A_20 = vector.broadcast %slice3A_19 : vector<1000x1xf32> to vector<1000x16xf32>
    %mul3A_21 = arith.mulf %slice3A_18, %mul3A_20 : vector<1000x16xf32>
    %swap3A_22 = arith.constant 0 : index
    %swap3A_23 = arith.constant 16 : index
    %swap3A_24 = vector.load %arg2[%swap3A_22, %swap3A_23] : memref<1000x128xf32, #tpu.memory_space<vmem>>, vector<1000x16xf32>
    tpu.vector_store %arg2[%swap3A_22, %swap3A_23], %mul3A_21 {strides = array<i32>} : memref<1000x128xf32, #tpu.memory_space<vmem>>, vector<1000x16xf32>,
    %slice3A_25 = vector.extract_strided_slice %add3A {offsets = [0, 32], sizes = [1000, 16], strides = [1, 1]} : vector<1000x136xf32> to vector<1000x16xf32>
    %slice3A_26 = vector.extract_strided_slice %select_n3A {offsets = [0, 2], sizes = [1000, 1], strides = [1, 1]} : vector<1000x8xf32> to vector<1000x1xf32>
    %mul3A_27 = vector.broadcast %slice3A_26 : vector<1000x1xf32> to vector<1000x16xf32>
    %mul3A_28 = arith.mulf %slice3A_25, %mul3A_27 : vector<1000x16xf32>
    %swap3A_29 = arith.constant 0 : index
    %swap3A_30 = arith.constant 32 : index
    %swap3A_31 = vector.load %arg2[%swap3A_29, %swap3A_30] : memref<1000x128xf32, #tpu.memory_space<vmem>>, vector<1000x16xf32>
    tpu.vector_store %arg2[%swap3A_29, %swap3A_30], %mul3A_28 {strides = array<i32>} : memref<1000x128xf32, #tpu.memory_space<vmem>>, vector<1000x16xf32>,
    %slice3A_32 = vector.extract_strided_slice %add3A {offsets = [0, 48], sizes = [1000, 16], strides = [1, 1]} : vector<1000x136xf32> to vector<1000x16xf32>
    %slice3A_33 = vector.extract_strided_slice %select_n3A {offsets = [0, 3], sizes = [1000, 1], strides = [1, 1]} : vector<1000x8xf32> to vector<1000x1xf32>
    %mul3A_34 = vector.broadcast %slice3A_33 : vector<1000x1xf32> to vector<1000x16xf32>
    %mul3A_35 = arith.mulf %slice3A_32, %mul3A_34 : vector<1000x16xf32>
    %swap3A_36 = arith.constant 0 : index
    %swap3A_37 = arith.constant 48 : index
    %swap3A_38 = vector.load %arg2[%swap3A_36, %swap3A_37] : memref<1000x128xf32, #tpu.memory_space<vmem>>, vector<1000x16xf32>
    tpu.vector_store %arg2[%swap3A_36, %swap3A_37], %mul3A_35 {strides = array<i32>} : memref<1000x128xf32, #tpu.memory_space<vmem>>, vector<1000x16xf32>,
    %slice3A_39 = vector.extract_strided_slice %add3A {offsets = [0, 64], sizes = [1000, 16], strides = [1, 1]} : vector<1000x136xf32> to vector<1000x16xf32>
    %slice3A_40 = vector.extract_strided_slice %select_n3A {offsets = [0, 4], sizes = [1000, 1], strides = [1, 1]} : vector<1000x8xf32> to vector<1000x1xf32>
    %mul3A_41 = vector.broadcast %slice3A_40 : vector<1000x1xf32> to vector<1000x16xf32>
    %mul3A_42 = arith.mulf %slice3A_39, %mul3A_41 : vector<1000x16xf32>
    %swap3A_43 = arith.constant 0 : index
    %swap3A_44 = arith.constant 64 : index
    %swap3A_45 = vector.load %arg2[%swap3A_43, %swap3A_44] : memref<1000x128xf32, #tpu.memory_space<vmem>>, vector<1000x16xf32>
    tpu.vector_store %arg2[%swap3A_43, %swap3A_44], %mul3A_42 {strides = array<i32>} : memref<1000x128xf32, #tpu.memory_space<vmem>>, vector<1000x16xf32>,
    %slice3A_46 = vector.extract_strided_slice %add3A {offsets = [0, 80], sizes = [1000, 16], strides = [1, 1]} : vector<1000x136xf32> to vector<1000x16xf32>
    %slice3A_47 = vector.extract_strided_slice %select_n3A {offsets = [0, 5], sizes = [1000, 1], strides = [1, 1]} : vector<1000x8xf32> to vector<1000x1xf32>
    %mul3A_48 = vector.broadcast %slice3A_47 : vector<1000x1xf32> to vector<1000x16xf32>
    %mul3A_49 = arith.mulf %slice3A_46, %mul3A_48 : vector<1000x16xf32>
    %swap3A_50 = arith.constant 0 : index
    %swap3A_51 = arith.constant 80 : index
    %swap3A_52 = vector.load %arg2[%swap3A_50, %swap3A_51] : memref<1000x128xf32, #tpu.memory_space<vmem>>, vector<1000x16xf32>
    tpu.vector_store %arg2[%swap3A_50, %swap3A_51], %mul3A_49 {strides = array<i32>} : memref<1000x128xf32, #tpu.memory_space<vmem>>, vector<1000x16xf32>,
    %slice3A_53 = vector.extract_strided_slice %add3A {offsets = [0, 96], sizes = [1000, 16], strides = [1, 1]} : vector<1000x136xf32> to vector<1000x16xf32>
    %slice3A_54 = vector.extract_strided_slice %select_n3A {offsets = [0, 6], sizes = [1000, 1], strides = [1, 1]} : vector<1000x8xf32> to vector<1000x1xf32>
    %mul3A_55 = vector.broadcast %slice3A_54 : vector<1000x1xf32> to vector<1000x16xf32>
    %mul3A_56 = arith.mulf %slice3A_53, %mul3A_55 : vector<1000x16xf32>
    %swap3A_57 = arith.constant 0 : index
    %swap3A_58 = arith.constant 96 : index
    %swap3A_59 = vector.load %arg2[%swap3A_57, %swap3A_58] : memref<1000x128xf32, #tpu.memory_space<vmem>>, vector<1000x16xf32>
    tpu.vector_store %arg2[%swap3A_57, %swap3A_58], %mul3A_56 {strides = array<i32>} : memref<1000x128xf32, #tpu.memory_space<vmem>>, vector<1000x16xf32>,
    %slice3A_60 = vector.extract_strided_slice %add3A {offsets = [0, 112], sizes = [1000, 16], strides = [1, 1]} : vector<1000x136xf32> to vector<1000x16xf32>
    %slice3A_61 = vector.extract_strided_slice %select_n3A {offsets = [0, 7], sizes = [1000, 1], strides = [1, 1]} : vector<1000x8xf32> to vector<1000x1xf32>
    %mul3A_62 = vector.broadcast %slice3A_61 : vector<1000x1xf32> to vector<1000x16xf32>
    %mul3A_63 = arith.mulf %slice3A_60, %mul3A_62 : vector<1000x16xf32>
    %swap3A_64 = arith.constant 0 : index
    %swap3A_65 = arith.constant 112 : index
    %swap3A_66 = vector.load %arg2[%swap3A_64, %swap3A_65] : memref<1000x128xf32, #tpu.memory_space<vmem>>, vector<1000x16xf32>
    tpu.vector_store %arg2[%swap3A_64, %swap3A_65], %mul3A_63 {strides = array<i32>} : memref<1000x128xf32, #tpu.memory_space<vmem>>, vector<1000x16xf32>,
    return
  }
  func.func @transform_0(%arg0: i32) -> (i32, i32, i32) {
    %c0_i32 = arith.constant 0 : i32
    %c0_i32_0 = arith.constant 0 : i32
    %c0_i32_1 = arith.constant 0 : i32
    return %c0_i32, %arg0, %c0_i32_0 : i32, i32, i32
  }
  func.func @transform_1(%arg0: i32) -> (i32, i32) {
    %c0_i32 = arith.constant 0 : i32
    %c0_i32_0 = arith.constant 0 : i32
    return %arg0, %c0_i32 : i32, i32
  }
}

</mosaic_0001>

<sc_bundles>
// kernel: kernel.5.cloned.1.call-start
scs
__scs_entry_jumppad:
0x0: {  	(pc) =	sbr.rel $0x88, $3  }
0x1: {  	(tag) =	ssettag $0x0;
	lr =	simm.s32 $0x1  }
0x2: {  	[smem:$0x3F9C] =	sst lr;
	_ =	strace $0xD0000000  }
0x3: {  	_ = 	snop  }
0x4: {  	_ = 	snop  }
0x5: {  	_ = 	snop  }
0x6: {  	_ = 	snop  }
0x7: {  	_ = 	snop  }
__scs_overlays_trampoline_lowered:
0x8: {  	[smem:$0x3FAB] =	sst s0  }
0x9: {  	[smem:$0x3FAC] =	sst s1  }
0xa: {  	[smem:$0x3FAD] =	sst s2  }
0xb: {  	[smem:$0x3FAE] =	sst s3  }
0xc: {  	[smem:$0x3FAF] =	sst s4  }
0xd: {  	[smem:$0x3FB0] =	sst s5  }
0xe: {  	[smem:$0x3FB1] =	sst s6  }
0xf: {  	[smem:$0x3FB2] =	sst s7  }
0x10: {  	[smem:$0x3FB3] =	sst s8  }
0x11: {  	[smem:$0x3FB4] =	sst s9;
	s0 =	simm.s32 @!p0 $0x0  }
0x12: {  	s1 =	sld [smem:$0x3F9A];
	s0 =	simm.s32 @p0 $0x1  }
0x13: {  	[smem:$0x3FB5] =	sst s0;
	s0 =	simm.s32 @!p1 $0x0  }
0x14: {  	s2 =	sld [smem:$0x3F99];
	s0 =	simm.s32 @p1 $0x1  }
0x15: {  	[smem:$0x3FB6] =	sst s0;
	s0 =	simm.s32 @!p2 $0x0  }
0x16: {  	s3 =	sld [smem:$0x3FDB];
	s0 =	simm.s32 @p2 $0x1  }
0x17: {  	s4 =	simm.s32 $0x1BF5;
	[smem:$0x3FB8] =	sst s0  }
0x18: {  	s0 =	sld [smem:$0x3F9B];
	_ =	swait.ge [sflag:s4], $0x0  }
0x19: {  	s7 =	sld [smem:$0x3F9C]  }
0x1a: {  	s8 =	sadd.s32 $0xFFFFE003, lr  }
0x1b: {  	s9 =	sadd.s32 $0xFFFFFEF7, lr;
	s5 =	simm.s32 $0xFFFFFFFF;
	p2 =	slt.u32 s8, $0xFFFFF086  }
0x1c: {  	p1 =	slt.u32 s9, $0xF7A;
	s5 =	simm.s32 @!p2 $0x0  }
0x1d: {  	s5 =	simm.s32 @p1 $0x1;
	p0 =	seq.s32 s7, s2  }
0x1e: {  	s7 =	smul.u32 @!p0 $0xF7A, s2;
	p2 =	seq.s32 @!p0 s5, $0x0  }
0x1f: {  	s9 =	smul.u32 $0xF7A, s1;
	s8 =	simm.s32 @!p0 $0x1BF5;
	p2 =	por !p2, p0  }
0x20: {  	[sflag:s8] =	ssyncset.s32 @!p0 $0xFFFFF086;
	s6 =	sadd.s32 @!p0 s3, s7;
	s7 =	simm.s32 @!p0 $0x108  }
0x21: {  	s3 =	sadd.s32 s3, s9;
	s6 =	sadd.s32 @!p0 $0x88, s6;
	s7 =	simm.s32 @p2 $0x1082  }
0x22: {  	[simem:s7], [sflag:s8] =	dma.local @!p0 [hbm:s6], $0xF7A  }
0x23: {  	s9 =	sor.u32 $0xD0000000, s2;
	s6 =	simm.s32 $0x108;
	_ =	swait.ge @!p0 [sflag:s8], $0x0  }
0x24: {  	s3 =	sadd.s32 $0x88, s3;
	s6 =	simm.s32 @!p1 $0x1082;
	[sflag:s4] =	ssyncset.s32 $0xFFFFF086  }
0x25: {  	[simem:s6], [sflag:s4] =	dma.local [hbm:s3], $0xF7A  }
0x26: {  	[smem:$0x3F9C] =	sst s1;
	(tag) =	ssettag s2;
	_ =	strace s9  }
0x27: {  	s1 =	sld [smem:$0x3FAC]  }
0x28: {  	s2 =	sld [smem:$0x3FAD]  }
0x29: {  	s4 =	sld [smem:$0x3FAF]  }
0x2a: {  	p0 =	seq.s32 s5, $0x0;
	s5 =	sld [smem:$0x3FB0]  }
0x2b: {  	s6 =	sld [smem:$0x3FB1]  }
0x2c: {  	s7 =	sld [smem:$0x3FB2]  }
0x2d: {  	s3 =	simm.s32 $0x108;
	s8 =	sld [smem:$0x3FB3]  }
0x2e: {  	s3 =	simm.s32 @!p0 $0x1082;
	s9 =	sld [smem:$0x3FB4]  }
0x2f: {  	lr =	sadd.s32 s0, s3;
	s0 =	sld [smem:$0x3FAB]  }
0x30: {  	s3 =	sld [smem:$0x3FAE]  }
0x31: {  	[smem:$0x3FB7] =	sst s10  }
0x32: {  	s10 =	sld [smem:$0x3FB5];
	_ =	sdelay $0x3  }
0x33: {  	p0 =	seq.s32 s10, $0x1;
	s10 =	sld [smem:$0x3FB7];
	_ =	sdelay $0x3  }
0x34: {  	[smem:$0x3FB7] =	sst s10  }
0x35: {  	s10 =	sld [smem:$0x3FB6];
	_ =	sdelay $0x3  }
0x36: {  	p1 =	seq.s32 s10, $0x1;
	s10 =	sld [smem:$0x3FB7];
	_ =	sdelay $0x3  }
0x37: {  	[smem:$0x3FB7] =	sst s10  }
0x38: {  	s10 =	sld [smem:$0x3FB8]  }
0x39: {  	_ = 	snop;
	(pc) =	sbr.ind lr, $3  }
0x3a: {  	_ = 	snop  }
0x3b: {  	_ = 	snop  }
0x3c: {  	p2 =	seq.s32 s10, $0x1;
	s10 =	sld [smem:$0x3FB7]  }
0x3d: {  	_ =	shalt  }
0x3e: {  	_ =	shalt  }
0x3f: {  	_ =	shalt  }
0x40: {  	_ =	shalt  }
0x41: {  	_ =	shalt  }
0x42: {  	_ =	shalt  }
0x43: {  	_ =	shalt  }
0x44: {  	_ =	shalt  }
0x45: {  	_ =	shalt  }
0x46: {  	_ =	shalt  }
0x47: {  	_ =	shalt  }
0x48: {  	_ =	shalt  }
0x49: {  	_ =	shalt  }
0x4a: {  	_ =	shalt  }
0x4b: {  	_ =	shalt  }
0x4c: {  	_ =	shalt  }
0x4d: {  	_ =	shalt  }
0x4e: {  	_ =	shalt  }
0x4f: {  	_ =	shalt  }
0x50: {  	_ =	shalt  }
0x51: {  	_ =	shalt  }
0x52: {  	_ =	shalt  }
0x53: {  	_ =	shalt  }
0x54: {  	_ =	shalt  }
0x55: {  	_ =	shalt  }
0x56: {  	_ =	shalt  }
0x57: {  	_ =	shalt  }
0x58: {  	_ =	shalt  }
0x59: {  	_ =	shalt  }
0x5a: {  	_ =	shalt  }
0x5b: {  	_ =	shalt  }
0x5c: {  	_ =	shalt  }
0x5d: {  	_ =	shalt  }
0x5e: {  	_ =	shalt  }
0x5f: {  	_ =	shalt  }
0x60: {  	_ =	shalt  }
0x61: {  	_ =	shalt  }
0x62: {  	_ =	shalt  }
0x63: {  	_ =	shalt  }
0x64: {  	_ =	shalt  }
0x65: {  	_ =	shalt  }
0x66: {  	_ =	shalt  }
0x67: {  	_ =	shalt  }
0x68: {  	_ =	shalt  }
0x69: {  	_ =	shalt  }
0x6a: {  	_ =	shalt  }
0x6b: {  	_ =	shalt  }
0x6c: {  	_ =	shalt  }
0x6d: {  	_ =	shalt  }
0x6e: {  	_ =	shalt  }
0x6f: {  	_ =	shalt  }
0x70: {  	_ =	shalt  }
0x71: {  	_ =	shalt  }
0x72: {  	_ =	shalt  }
0x73: {  	_ =	shalt  }
0x74: {  	_ =	shalt  }
0x75: {  	_ =	shalt  }
0x76: {  	_ =	shalt  }
0x77: {  	_ =	shalt  }
0x78: {  	_ =	shalt  }
0x79: {  	_ =	shalt  }
0x7a: {  	_ =	shalt  }
0x7b: {  	_ =	shalt  }
0x7c: {  	_ =	shalt  }
0x7d: {  	_ =	shalt  }
0x7e: {  	_ =	shalt  }
0x7f: {  	_ =	shalt  }
0x80: {  	_ =	shalt  }
0x81: {  	_ =	shalt  }
0x82: {  	_ =	shalt  }
0x83: {  	_ =	shalt  }
0x84: {  	_ =	shalt  }
0x85: {  	_ =	shalt  }
0x86: {  	_ =	shalt  }
0x87: {  	_ =	shalt  }
.Lfunc_end0:
.L_simem_size_0:
called_computation_lowered:
.L_overlay_start_0:
0x88: {  	s2 =	sld [smem:$0x3FD9]  }
0x89: {  	s3 =	sld [smem:$0x3FFE];
	_ =	sdelay $0x1  }
0x8a: {  	s1 =	srdreg.scid  }
0x8b: {  	s0 =	sand.u32 $0x1, s1  }
0x8c: {  	s17 =	sshll.u32 s0, $0xA;
	s2 =	sadd.s32 s3, s2  }
0x8d: {  	s2 =	sadd.s32 s2, s17  }
0x8e: {  	[smem:$0x3FC3] =	sst s2  }
0x8f: {  	_ = 	snop  }
0x90: {  	s2 =	sld [smem:$0x3FD0];
	(tm) =	ssettm $0x1  }
0x91: {  	s18 =	sld [smem:$0x3FFB];
	_ =	sdelay $0x3  }
0x92: {  	_ =	strace s18  }
0x93: {  	s3 =	sld [smem:$0x3FFC];
	_ =	sdelay $0x3  }
0x94: {  	_ =	strace s3  }
0x95: {  	s3 =	sld [smem:$0x3FFD];
	_ =	sdelay $0x3  }
0x96: {  	_ =	strace s3  }
0x97: {  	_ =	strace $0x8FFFFFFF  }
0x98: {  	s19 =	sld [smem:$0x3FDB];
	_ =	sdelay $0x1  }
0x99: {  	s4 =	simm.s32 $_scs_section_size  }
0x9a: {  	s5 =	simm.s32 $_size__tile_overlayer_lowered;
	s6 =	simm.s32 $_tile_overlayer_lowered  }
0x9b: {  	s22 =	simm.s32 $0x1BFF;
	s21 =	sshll.u32 s6, $0x1;
	s3 =	sadd.s32 s4, s19  }
0x9c: {  	s7 =	simm.s32 $0x0;
	s20 =	sshll.u32 s5, $0x1;
	s5 =	sadd.s32 s21, s3  }
0x9d: {  	[timem:s7], [sflag:s22] =	dma.local [hbm:s5], s20  }
0x9e: {  	_ =	swait.ge [sflag:s22], s20  }
0x9f: {  	s4 =	ssub.s32 $0x0, s20;
	[sflag:s22] =	ssyncset.done $0x0  }
0xa0: {  	[sflag:s22] =	ssyncadd.s32 s4;
	_ =	sdelay $0x1  }
0xa1: {  	s23 =	simm.s32 $0x1B8B  }
0xa2: {  	_ =	swait.ge [sflag:s23], $0x1  }
0xa3: {  	[sflag:s23] =	ssyncset.done $0x0  }
0xa4: {  	s25 =	simm.s32 $0x1B8E;
	s24 =	sld [smem:$0x3FFE];
	[sflag:s23] =	ssyncadd.s32 $0xFFFFFFFF  }
0xa5: {  	s26 =	simm.s32 $execute0_lowered;
	[smem:$0x3FD2] =	sst s25  }
0xa6: {  	s5 =	sshll.u32 s26, $0x1;
	_ =	strace $0x80000046;
	[dreg:$0x1] =	wrdreg $0xFFFFFFFF  }
0xa7: {  	s28 =	simm.s32 $_size_execute0_lowered;
	s3 =	sadd.s32 s3, s5;
	[dreg:$0x0] =	wrdreg $0x0  }
0xa8: {  	s5 =	sshll.u32 s28, $0x1;
	[dreg:$0x2] =	wrdreg s3  }
0xa9: {  	[dreg:$0x3] =	wrdreg s5  }
0xaa: {  	[dreg:$0x4] =	wrdreg $0xC0  }
0xab: {  	_ =	task [dreg:s7], $0x5FFFF  }
0xac: {  	[dreg:$0x1] =	wrdreg $0xFFFFFFFF  }
0xad: {  	[dreg:$0x0] =	wrdreg $0x60  }
0xae: {  	[dreg:$0x2] =	wrdreg s2  }
0xaf: {  	[dreg:$0x3] =	wrdreg s24  }
0xb0: {  	[dreg:$0x4] =	wrdreg $0xA3200  }
0xb1: {  	[dreg:$0x5] =	wrdreg $0x9  }
0xb2: {  	_ =	task.clear_ibuf [dreg:s7], $0x6FFFF;
	_ =	strace $0x90000046  }
0xb3: {  	s29 =	simm.s32 $0x9;
	_ =	strace $0x80000048  }
0xb4: {  	_ =	swait.ge [sflag:s29], $0x1  }
0xb5: {  	[sflag:s29] =	ssyncadd.s32 $0xFFFFFFFF  }
0xb6: {  	_ =	strace $0x90000048  }
0xb7: {  	_ =	sfence  }
0xb8: {  	s30 =	sld [smem:$0x0];
	_ =	sdelay $0x2  }
0xb9: {  	s31 =	sshll.u32 s1, $0xD;
	s1 =	sshrl.u32 s1, $0x2  }
0xba: {  	s3 =	sand.u32 $0x4000, s31;
	s1 =	sadd.s32 s1, s30  }
0xbb: {  	s0 =	sor.u32 s3, s0;
	s1 =	sshll.u32 s1, $0x11  }
0xbc: {  	s0 =	sor.u32 s1, s0  }
0xbd: {  	s0 =	sadd.s32 $0x8F2B, s0  }
0xbe: {  	[sflag:s0] =	ssyncadd.remote.s32 $0x1  }
0xbf: {  	_ =	sfence.sel $0xFFFF  }
0xc0: {  	[dreg:$0x0] =	wrdreg $0xFFFFFFFF;
	(pc) =	sbr.abs _section_cstart, $3  }
0xc1: {  	[dreg:$0x1] =	wrdreg $0xFFFFFFFF  }
0xc2: {  	_ =	task.clear_ibuf [dreg:s7], $0x2FFFF;
	_ =	strace $0x9FFFFFFF  }
0xc3: {  	(tm) =	ssettm $0x7FFFFFFF  }
tec
execute0_lowered:
.L_overlay_start_1:
0x0: {  	(tag) =	ssettag $0x1  }
0x1: {  	s1 =	rddreg [dreg:$0x0]  }
0x2: {  	s2 =	rddreg [dreg:$0x1]  }
0x3: {  	s4 =	srdreg.scid;
	s0 =	stileid.u32  }
0x4: {  	s3 =	rddreg [dreg:$0x2];
	s30 =	simm.s32 $0x0;
	s18 =	simm.s32 $0x78A0  }
0x5: {  	s19 =	simm.s32 $0x3;
	s20 =	simm.s32 $0x50;
	s21 =	simm.s32 $0xA0  }
0x6: {  	s22 =	simm.s32 $0x50A0;
	s23 =	simm.s32 $0x1;
	s24 =	simm.s32 $0x2  }
0x7: {  	s25 =	simm.s32 $0x0;
	s7 =	sand.u32 $0x1, s4;
	s8 =	smul.u32 $0x15400, s0  }
0x8: {  	[smem:$0x7FF] =	sst s30;
	s5 =	sadd.s32 $0x15000, s2;
	s10 =	smul.u32 $0x55000, s0  }
0x9: {  	s11 =	sshll.u32 s0, $0x1;
	s6 =	smul.u32 $0x154000, s7;
	s31 =	ssub.s32 $0x2, s7  }
0xa: {  	_ =	strace $0x80000047;
	s7 =	sor.u32 s7, s11;
	s12 =	sshrl.u32 s31, $0x1  }
0xb: {  	s10 =	sshrl.u32 s10, $0x2;
	s7 =	smul.u32 $0x7D, s7;
	s9 =	sadd.s32 s8, s6  }
0xc: {  	s6 =	sadd.s32 $0x1600, s2;
	s17 =	ssub.s32 s31, s12;
	s15 =	sadd.s32 s10, s3  }
0xd: {  	s8 =	sadd.s32 s8, s3;
	s9 =	sshrl.u32 s9, $0x3;
	s10 =	sadd.s32 $0x5500, s15  }
0xe: {  	s11 =	sadd.s32 $0x7F80, s15;
	s12 =	sadd.s32 $0xAA00, s15;
	s13 =	sadd.s32 $0xD480, s15  }
0xf: {  	s14 =	sadd.s32 $0xFF00, s15;
	s17 =	smax.u32 s17, $0x1;
	s2 =	sadd.s32 s9, s2  }
0x10: {  	v0 =	vimm.f32 $0.0e+00;
	v46 =	vlaneseq.u32;
	s9 =	sadd.s32 $0x2A80, s15;
	s15 =	sadd.s32 $0x12980, s15;
	s16 =	sadd.s32 $0x63200, s2  }
.LBB2_1:
0x11: {  	s0 =	simm.s32 $0x0  }
0x12: {  	s2 =	smul.u32 $0xE38F, s0;
	_ =	sdelay $0x1  }
0x13: {  	s26 =	sshrl.u32 s2, $0x13  }
0x14: {  	s28 =	smul.u32 $0x9, s26  }
0x15: {  	s2 =	simm.s32 $0x1  }
0x16: {  	s29 =	smul.u32 $0xE38F, s2;
	s28 =	ssub.s32 $0x0, s28  }
0x17: {  	s26 =	smul.u32 $0x220, s26;
	s28 =	sshll.u32 s28, $0x4  }
0x18: {  	s30 =	sand.u32 $0xFFF0, s28  }
0x19: {  	s31 =	sshrl.u32 s26, $0x2;
	s28 =	sshrl.u32 s29, $0x13;
	s29 =	smin.u32 s30, $0x78  }
0x1a: {  	s26 =	simm.s32 $0x2;
	s30 =	smul.u32 $0x9, s28;
	s29 =	sadd.s32 s29, s31  }
.LBB2_2:
0x1b: {  	s31 =	smul.u32 $0xE38F, s26;
	[tilespmem:s29+$0x78A0] =	vst v0;
	s29 =	smov.u32 s26  }
0x1c: {  	p0 =	sne.s32 s26, $0x2CF;
	s2 =	ssub.s32 s2, s30;
	s30 =	smul.u32 $0x220, s28  }
.Ltmp0:
0x1d: {  	(pc) =	sbr.rel @p0 .LBB2_2-.Ltmp0, $4  }
0x1e: {  	s26 =	sadd.s32 $0x1, s26;
	s2 =	sshll.u32 s2, $0x4  }
0x1f: {  	s4 =	sand.u32 $0xFFF0, s2;
	s2 =	smov.u32 s29  }
0x20: {  	s28 =	sshrl.u32 s31, $0x13;
	s29 =	sshrl.u32 s30, $0x2;
	s4 =	smin.u32 s4, $0x78  }
0x21: {  	s30 =	smul.u32 $0x9, s28;
	s29 =	sadd.s32 s4, s29  }
0x22: {  	_ = 	snop  }
0x23: {  	s2 =	ssub.s32 s2, s30  }
0x24: {  	s4 =	smul.u32 $0x220, s28;
	s2 =	sshll.u32 s2, $0x4  }
0x25: {  	s2 =	sand.u32 $0xFFF0, s2  }
0x26: {  	s4 =	sshrl.u32 s4, $0x2;
	s2 =	smin.u32 s2, $0x78  }
0x27: {  	[tilespmem:s29+$0x78A0] =	vst v0;
	s2 =	sadd.s32 s2, s4  }
0x28: {  	[tilespmem:s2+$0x78A0] =	vst v0  }
0x29: {  	[spmem:s8] =	stream.linear.scatter [tilespmem:s18], [sflag:$0x3], $0x2A80, $0x38;
	[tilespmem:$0x1F720] =	vst v63  }
0x2a: {  	_ =	swait.ge [sflag:s19], $0x2A80  }
0x2b: {  	[sflag:s19] =	ssyncset.done $0x0  }
0x2c: {  	[sflag:s19] =	ssyncadd.s32 $0xFFFFD580  }
0x2d: {  	[spmem:s9] =	stream.linear.scatter [tilespmem:s18], [sflag:$0x3], $0x2A80, $0x38;
	[tilespmem:$0x1F720] =	vst v63  }
0x2e: {  	_ =	swait.ge [sflag:s19], $0x2A80  }
0x2f: {  	[sflag:s19] =	ssyncset.done $0x0  }
0x30: {  	[sflag:s19] =	ssyncadd.s32 $0xFFFFD580  }
0x31: {  	[spmem:s10] =	stream.linear.scatter [tilespmem:s18], [sflag:$0x3], $0x2A80, $0x38;
	[tilespmem:$0x1F720] =	vst v63  }
0x32: {  	_ =	swait.ge [sflag:s19], $0x2A80  }
0x33: {  	[sflag:s19] =	ssyncset.done $0x0  }
0x34: {  	[sflag:s19] =	ssyncadd.s32 $0xFFFFD580  }
0x35: {  	[spmem:s11] =	stream.linear.scatter [tilespmem:s18], [sflag:$0x3], $0x2A80, $0x38;
	[tilespmem:$0x1F720] =	vst v63  }
0x36: {  	_ =	swait.ge [sflag:s19], $0x2A80  }
0x37: {  	[sflag:s19] =	ssyncset.done $0x0  }
0x38: {  	[sflag:s19] =	ssyncadd.s32 $0xFFFFD580  }
0x39: {  	[spmem:s12] =	stream.linear.scatter [tilespmem:s18], [sflag:$0x3], $0x2A80, $0x38;
	[tilespmem:$0x1F720] =	vst v63  }
0x3a: {  	_ =	swait.ge [sflag:s19], $0x2A80  }
0x3b: {  	[sflag:s19] =	ssyncset.done $0x0  }
0x3c: {  	[sflag:s19] =	ssyncadd.s32 $0xFFFFD580  }
0x3d: {  	[spmem:s13] =	stream.linear.scatter [tilespmem:s18], [sflag:$0x3], $0x2A80, $0x38;
	[tilespmem:$0x1F720] =	vst v63  }
0x3e: {  	_ =	swait.ge [sflag:s19], $0x2A80  }
0x3f: {  	[sflag:s19] =	ssyncset.done $0x0  }
0x40: {  	[sflag:s19] =	ssyncadd.s32 $0xFFFFD580  }
0x41: {  	[spmem:s14] =	stream.linear.scatter [tilespmem:s18], [sflag:$0x3], $0x2A80, $0x38;
	[tilespmem:$0x1F720] =	vst v63  }
0x42: {  	_ =	swait.ge [sflag:s19], $0x2A80  }
0x43: {  	[sflag:s19] =	ssyncset.done $0x0  }
0x44: {  	[sflag:s19] =	ssyncadd.s32 $0xFFFFD580  }
0x45: {  	[spmem:s15] =	stream.linear.scatter [tilespmem:s18], [sflag:$0x3], $0x2A80, $0x38;
	[tilespmem:$0x1F720] =	vst v63  }
0x46: {  	_ =	swait.ge [sflag:s19], $0x2A80  }
0x47: {  	[sflag:s19] =	ssyncset.done $0x0  }
0x48: {  	[sflag:s19] =	ssyncadd.s32 $0xFFFFD580  }
0x49: {  	s26 =	simm.s32 $0x0;
	s28 =	simm.s32 $0x0;
	[bflag:$0x0] =	sbarrier.arrive $0xFFFF  }
.LBB2_4:
0x4a: {  	s2 =	sadd.s32 s7, s28  }
0x4b: {  	s2 =	smul.u32 $0x14, s2;
	_ =	sdelay $0x1  }
0x4c: {  	s2 =	sadd.s32 s6, s2  }
0x4d: {  	[tilespmem:s26], [sflag:$0x3] =	stream.linear.gather [hbm4b:s2+s26], $0xA0, $0x38;
	[tilespmem:$0x1F720] =	vst v63  }
0x4e: {  	_ =	swait.ge [sflag:s19], $0xA0  }
0x4f: {  	[sflag:s19] =	ssyncset.done $0x0  }
0x50: {  	[sflag:s19] =	ssyncadd.s32 $0xFFFFFF60  }
0x51: {  	[tilespmem:s21], [sflag:$0x1] =	stream.indirect.gather [hbm4b:s5+s20], $0x100, s26, s20, $0xb8;
	[tilespmem:$0x1F720] =	vst v63  }
0x52: {  	_ = 	snop  }
0x53: {  	[tilespmem:s22], [sflag:$0x2] =	stream.indirect.gather [hbm4b:s1+s20], $0x80, s20, s20, $0xb8;
	[tilespmem:$0x1F720] =	vst v63  }
0x54: {  	_ =	swait.ge [sflag:s23], $0x5000  }
0x55: {  	[sflag:s23] =	ssyncset.done $0x0  }
0x56: {  	[sflag:s23] =	ssyncadd.s32 $0xFFFFB000  }
0x57: {  	_ =	swait.ge [sflag:s24], $0x2800  }
0x58: {  	[sflag:s24] =	ssyncset.done $0x0  }
0x59: {  	s29 =	simm.s32 $0x0;
	[sflag:s24] =	ssyncadd.s32 $0xFFFFD800  }
.LBB2_5:
0x5a: {  	s2 =	sshll.u32 s29, $0x4  }
0x5b: {  	s0 =	simm.s32 $0x1;
	s4 =	simm.s32 $0x3;
	v0 =	vor.u32 s2, v46  }
0x5c: {  	v4 =	vadd.s32 s0, v46;
	v5 =	vadd.s32 s4, v46;
	v3 =	vshll.u32 v0, $0x8  }
0x5d: {  	v26 =	vshll.u32 v0, $0x7;
	v47 =	vand.u32 $0x8, v4;
	v4 =	vand.u32 $0x7, v4  }
0x5e: {  	v6 =	vand.u32 $0x7, v5;
	v12 =	vor.u32 v3, v4;
	v7 =	vor.u32 $0x70, v47  }
0x5f: {  	v11 =	vand.u32 $0x8, v5;
	v17 =	vor.u32 v26, v4;
	v4 =	vor.u32 v7, v12  }
0x60: {  	v18 =	vor.u32 v26, v6;
	v16 =	vor.u32 $0x70, v11;
	v20 =	vor.u32 v47, v12  }
0x61: {  	v28 =	vor.u32 v3, v6;
	v6 =	vor.u32 v16, v18  }
0x62: {  	s4 =	simm.s32 $0x2;
	v5 =	vor.u32 v7, v17;
	v7 =	vor.u32 v11, v28  }
0x63: {  	[tilespmem:$0x1FF50] =	vst v0;
	v10 =	vadd.s32 s4, v46;
	v8 =	vor.u32 $0x20, v47;
	v9 =	vor.u32 v47, v17  }
0x64: {  	v13 =	vand.u32 $0x8, v10;
	v10 =	vand.u32 $0x7, v10;
	v15 =	vor.u32 v8, v12;
	v4 =	vld.idx.msk [tilespmem:v4+s21+$0x0], $0xffff  }
0x65: {  	v25 =	vor.u32 v3, v10;
	v21 =	vor.u32 $0x70, v13;
	v54 =	vld.idx.msk [tilespmem:v20+s21+$0x0], $0xffff  }
0x66: {  	v29 =	vor.u32 v26, v10;
	v23 =	vld.idx.msk [tilespmem:v6+s22+$0x0], $0xffff;
	v6 =	vor.u32 v21, v25  }
0x67: {  	v10 =	vor.u32 $0x60, v13;
	v24 =	vld.idx.msk [tilespmem:v7+s21+$0x0], $0xffff;
	v7 =	vor.u32 v21, v29  }
0x68: {  	v22 =	vor.u32 v10, v25;
	v21 =	vor.u32 $0x20, v13;
	v50 =	vld.idx.msk [tilespmem:v9+s22+$0x0], $0xffff  }
0x69: {  	v9 =	vld.idx.msk [tilespmem:v15+s21+$0x0], $0xffff;
	v15 =	vor.u32 v21, v25  }
0x6a: {  	v27 =	vor.u32 v13, v29;
	v5 =	vld.idx.msk [tilespmem:v5+s22+$0x0], $0xffff;
	[tilespmem:$0x1FFE0] =	vst v54  }
0x6b: {  	v32 =	vor.u32 $0x50, v13;
	v20 =	vor.u32 v21, v29;
	v6 =	vld.idx.msk [tilespmem:v6+s21+$0x0], $0xffff  }
0x6c: {  	v34 =	vor.u32 v32, v25;
	v33 =	vld.idx.msk [tilespmem:v7+s22+$0x0], $0xffff  }
0x6d: {  	v38 =	vor.u32 $0x60, v11;
	v8 =	vor.u32 v8, v17;
	v35 =	vld.idx.msk [tilespmem:v22+s21+$0x0], $0xffff  }
0x6e: {  	v36 =	vor.u32 $0x20, v11;
	v39 =	vor.u32 v38, v28;
	v55 =	vld.idx.msk [tilespmem:v15+s21+$0x0], $0xffff  }
0x6f: {  	v37 =	vor.u32 v36, v28;
	v21 =	vor.u32 $0x30, v13;
	v7 =	vld.idx.msk [tilespmem:v27+s22+$0x0], $0xffff  }
0x70: {  	v31 =	vor.u32 v21, v25;
	v20 =	vld.idx.msk [tilespmem:v20+s22+$0x0], $0xffff  }
0x71: {  	v22 =	vor.u32 v32, v29;
	v34 =	vld.idx.msk [tilespmem:v34+s21+$0x0], $0xffff  }
0x72: {  	v15 =	vor.u32 v21, v29;
	v21 =	vor.u32 $0x60, v47;
	v19 =	vld.idx.msk [tilespmem:v8+s22+$0x0], $0xffff  }
0x73: {  	v8 =	vmul.f32 v5, v4;
	v4 =	vld.idx.msk [tilespmem:v39+s21+$0x0], $0xffff;
	v27 =	vor.u32 v21, v12  }
0x74: {  	v2 =	vld.idx.msk [tilespmem:v37+s21+$0x0], $0xffff  }
0x75: {  	v31 =	vld.idx.msk [tilespmem:v31+s21+$0x0], $0xffff  }
0x76: {  	v22 =	vld.idx.msk [tilespmem:v22+s22+$0x0], $0xffff  }
0x77: {  	v40 =	vor.u32 v11, v18;
	v41 =	vld.idx.msk [tilespmem:v15+s22+$0x0], $0xffff  }
0x78: {  	v43 =	vor.u32 v13, v25;
	v0 =	vld.idx.msk [tilespmem:v27+s21+$0x0], $0xffff;
	[tilespmem:$0x1FF60] =	vst v4;
	v4 =	vmul.f32 v33, v6  }
0x79: {  	v21 =	vor.u32 v21, v17  }
0x7a: {  	[tilespmem:$0x1FF70] =	vst v4;
	v4 =	vmul.f32 v20, v55;
	_ =	sdelay $0x1  }
0x7b: {  	v48 =	vor.u32 v10, v29;
	v39 =	vld.idx.msk [tilespmem:v40+s22+$0x0], $0xffff;
	[tilespmem:$0x1FF80] =	vst v4;
	v4 =	vmul.f32 v41, v31  }
0x7c: {  	v36 =	vor.u32 v36, v18;
	v40 =	vld.idx.msk [tilespmem:v43+s21+$0x0], $0xffff  }
0x7d: {  	v21 =	vld.idx.msk [tilespmem:v21+s22+$0x0], $0xffff;
	[tilespmem:$0x1FF90] =	vst v4;
	v4 =	vmul.f32 v22, v34  }
0x7e: {  	v60 =	vor.u32 v38, v18  }
0x7f: {  	[tilespmem:$0x1FFA0] =	vst v4  }
0x80: {  	v31 =	vld.idx.msk [tilespmem:v48+s22+$0x0], $0xffff  }
0x81: {  	v36 =	vld.idx.msk [tilespmem:v36+s22+$0x0], $0xffff;
	[tilespmem:$0x1FFB0] =	vst v3  }
0x82: {  	s30 =	simm.s32 $0x0;
	[tilespmem:$0x1FFC0] =	vst v26  }
0x83: {  	v61 =	vadd.s32 s30, v46;
	v57 =	vor.u32 $0x10, v13;
	v16 =	vor.u32 v16, v28;
	v63 =	vld.idx.msk [tilespmem:v60+s22+$0x0], $0xffff  }
0x84: {  	v42 =	vor.u32 $0x30, v47;
	v45 =	vor.u32 $0x40, v47;
	v59 =	vor.u32 v57, v29  }
0x85: {  	v44 =	vor.u32 $0x10, v47;
	v1 =	vor.u32 $0x30, v11;
	v27 =	vor.u32 v42, v17  }
0x86: {  	v38 =	vor.u32 v42, v12;
	v32 =	vor.u32 v44, v12;
	v37 =	vor.u32 v1, v28  }
0x87: {  	v20 =	vor.u32 v44, v17;
	v22 =	vand.u32 $0x7, v61;
	v34 =	vand.u32 $0x8, v61  }
0x88: {  	v41 =	vor.u32 v3, v22;
	v42 =	vor.u32 v26, v22;
	v62 =	vor.u32 $0x70, v34;
	v43 =	vld.idx.msk [tilespmem:v16+s21+$0x0], $0xffff;
	[tilespmem:$0x1FFD0] =	vst v63  }
0x89: {  	v49 =	vor.u32 $0x20, v34;
	v46 =	vor.u32 $0x50, v34;
	v48 =	vor.u32 v34, v41;
	v22 =	vld.idx.msk [tilespmem:v59+s22+$0x0], $0xffff  }
0x8a: {  	v53 =	vor.u32 $0x30, v34;
	v51 =	vor.u32 v62, v41;
	v33 =	vor.u32 v62, v42;
	v44 =	vld.idx.msk [tilespmem:v27+s22+$0x0], $0xffff  }
0x8b: {  	v54 =	vor.u32 v34, v42;
	v52 =	vor.u32 v46, v41;
	v55 =	vor.u32 v53, v41;
	v62 =	vld.idx.msk [tilespmem:v32+s21+$0x0], $0xffff  }
0x8c: {  	v56 =	vor.u32 v46, v42;
	v4 =	vor.u32 v45, v17;
	v3 =	vor.u32 $0x10, v34;
	v30 =	vld.idx.msk [tilespmem:v20+s22+$0x0], $0xffff  }
0x8d: {  	v58 =	vor.u32 v3, v41;
	v60 =	vor.u32 v3, v42;
	v21 =	vmul.f32 v21, v0;
	v38 =	vld.idx.msk [tilespmem:v38+s21+$0x0], $0xffff  }
0x8e: {  	v63 =	vor.u32 v49, v42;
	v27 =	vor.u32 $0x60, v34;
	v32 =	vor.u32 v53, v42;
	v48 =	vld.idx.msk [tilespmem:v48+s21+$0x0], $0xffff  }
0x8f: {  	v34 =	vor.u32 $0x40, v34;
	v20 =	vor.u32 $0x10, v11;
	v3 =	vld.idx.msk [tilespmem:v33+s22+$0x0], $0xffff;
	v59 =	vor.u32 v27, v42  }
0x90: {  	v0 =	vld.idx.msk [tilespmem:v54+s22+$0x0], $0xffff;
	v54 =	vor.u32 v45, v12;
	v61 =	vor.u32 v27, v41;
	v26 =	vor.u32 v34, v42  }
0x91: {  	v45 =	vld.idx.msk [tilespmem:v4+s22+$0x0], $0xffff;
	v53 =	vor.u32 v34, v41;
	v41 =	vor.u32 v49, v41;
	v27 =	vor.u32 v1, v18  }
0x92: {  	v1 =	vld.idx.msk [tilespmem:v51+s21+$0x0], $0xffff;
	v49 =	vmul.f32 v39, v24;
	v42 =	vor.u32 v20, v28;
	v39 =	vor.u32 v20, v18  }
0x93: {  	v20 =	vmul.f32 v31, v35;
	v31 =	vor.u32 $0x40, v11;
	v44 =	vmul.f32 v44, v38;
	v38 =	vld.idx.msk [tilespmem:v32+s22+$0x0], $0xffff  }
0x94: {  	v24 =	vor.u32 v31, v28;
	v34 =	vor.u32 v31, v18;
	v31 =	vld.idx.msk [tilespmem:v59+s22+$0x0], $0xffff  }
0x95: {  	v5 =	vor.u32 $0x50, v47;
	v51 =	vor.u32 $0x50, v11;
	v11 =	vmul.f32 v36, v2;
	v2 =	vld.idx.msk [tilespmem:v61+s21+$0x0], $0xffff  }
0x96: {  	v14 =	vmul.f32 v23, v43;
	v35 =	vor.u32 v51, v28;
	v59 =	vld.idx.msk [tilespmem:v58+s21+$0x0], $0xffff;
	v61 =	vor.u32 $0x40, v13  }
0x97: {  	v18 =	vor.u32 v51, v18;
	v36 =	vor.u32 v61, v29;
	v43 =	vor.u32 v61, v25;
	v61 =	vld.idx.msk [tilespmem:v60+s22+$0x0], $0xffff  }
0x98: {  	v28 =	vor.u32 v5, v12;
	v12 =	vmul.f32 v3, v1;
	v60 =	vmul.f32 v30, v62;
	v62 =	vld [tilespmem:$0x1FFE0]  }
0x99: {  	v57 =	vor.u32 v57, v25;
	v23 =	vimm.f32 $0.0e+00;
	v58 =	vld.idx.msk [tilespmem:v41+s21+$0x0], $0xffff  }
0x9a: {  	v33 =	vor.u32 v5, v17;
	v17 =	vimm.f32 $0.0e+00;
	v51 =	vld.idx.msk [tilespmem:v26+s22+$0x0], $0xffff;
	v12 =	vadd.f32 v12, v23  }
0x9b: {  	v0 =	vmul.f32 v0, v48;
	v48 =	vimm.f32 $0.0e+00;
	v41 =	vld.idx.msk [tilespmem:v63+s22+$0x0], $0xffff;
	v63 =	vimm.f32 $0.0e+00  }
0x9c: {  	v25 =	vld.idx.msk [tilespmem:v18+s22+$0x0], $0xffff;
	v18 =	vimm.f32 $0.0e+00;
	v26 =	vadd.f32 v8, v12;
	v12 =	vimm.f32 $0.0e+00  }
0x9d: {  	s31 =	simm.s32 $0x4;
	[tilespmem:$0x1FFF0] =	vst v63;
	v29 =	vmul.f32 v31, v2;
	v31 =	vadd.f32 v0, v23;
	v30 =	vmul.f32 v50, v62  }
.LBB2_6:
0x9e: {  	v0 =	vld.idx.msk [tilespmem:v56+s22+$0x0], $0xffff  }
0x9f: {  	v46 =	vld.idx.msk [tilespmem:v55+s21+$0x0], $0xffff  }
0xa0: {  	v50 =	vld.idx.msk [tilespmem:v52+s21+$0x0], $0xffff  }
0xa1: {  	v63 =	vld [tilespmem:$0x1FF70]  }
0xa2: {  	v15 =	vld [tilespmem:$0x1FFB0]  }
0xa3: {  	v62 =	vld.idx.msk [tilespmem:v53+s21+$0x0], $0xffff  }
0xa4: {  	v55 =	vld [tilespmem:$0x1FFC0]  }
0xa5: {  	v27 =	vld.idx.msk [tilespmem:v27+s22+$0x0], $0xffff  }
0xa6: {  	v43 =	vld.idx.msk [tilespmem:v43+s21+$0x0], $0xffff  }
0xa7: {  	v4 =	vmul.f32 v19, v9;
	v36 =	vld.idx.msk [tilespmem:v36+s22+$0x0], $0xffff  }
0xa8: {  	s4 =	sadd.s32 $0x1, s31;
	v7 =	vmul.f32 v7, v40;
	v1 =	vlaneseq.u32;
	v13 =	vlaneseq.u32;
	v42 =	vld.idx.msk [tilespmem:v42+s21+$0x0], $0xffff  }
0xa9: {  	s0 =	sadd.s32 $0x3, s31;
	v59 =	vmul.f32 v61, v59;
	v28 =	vld.idx.msk [tilespmem:v28+s21+$0x0], $0xffff;
	v2 =	vadd.f32 v29, v23;
	v9 =	vadd.s32 s4, v1  }
0xaa: {  	v5 =	vld [tilespmem:$0x1FFD0];
	v19 =	vadd.s32 s0, v1;
	v47 =	vadd.f32 v30, v31;
	v56 =	vand.u32 $0x8, v9  }
0xab: {  	v39 =	vld.idx.msk [tilespmem:v39+s22+$0x0], $0xffff;
	v9 =	vand.u32 $0x7, v9;
	v32 =	vand.u32 $0x7, v19;
	v52 =	vand.u32 $0x8, v19  }
0xac: {  	v19 =	vld.idx.msk [tilespmem:v33+s22+$0x0], $0xffff;
	v23 =	vadd.f32 v59, v48;
	v7 =	vadd.f32 v7, v47;
	v3 =	vor.u32 $0x70, v56  }
0xad: {  	v2 =	vadd.f32 v21, v2;
	v58 =	vmul.f32 v41, v58;
	v41 =	vld.idx.msk [tilespmem:v54+s21+$0x0], $0xffff;
	v54 =	vor.u32 $0x70, v52  }
0xae: {  	v10 =	vadd.f32 v63, v26;
	v26 =	vor.u32 v15, v9;
	v29 =	vor.u32 v55, v9;
	v9 =	vld.idx.msk [tilespmem:v37+s21+$0x0], $0xffff  }
0xaf: {  	v48 =	vld.idx.msk [tilespmem:v57+s21+$0x0], $0xffff;
	v57 =	vadd.f32 v60, v23;
	v31 =	vor.u32 v15, v32;
	v33 =	vor.u32 v3, v26  }
0xb0: {  	s30 =	smov.u32 s31;
	v24 =	vld.idx.msk [tilespmem:v24+s21+$0x0], $0xffff;
	v32 =	vor.u32 v55, v32;
	v38 =	vmul.f32 v38, v46;
	v46 =	vor.u32 v3, v29  }
0xb1: {  	v35 =	vld.idx.msk [tilespmem:v35+s21+$0x0], $0xffff;
	s4 =	sadd.s32 $0x2, s30;
	v63 =	vor.u32 $0x20, v56;
	v0 =	vmul.f32 v0, v50;
	v47 =	vor.u32 v54, v32  }
0xb2: {  	v61 =	vmul.f32 v51, v62;
	v51 =	vadd.s32 s4, v13;
	v1 =	vor.u32 v63, v26;
	v3 =	vld [tilespmem:$0x1FF60]  }
0xb3: {  	v2 =	vadd.f32 v20, v2;
	v59 =	vand.u32 $0x8, v51;
	v27 =	vmul.f32 v27, v9;
	v9 =	vld [tilespmem:$0x1FFF0]  }
0xb4: {  	v54 =	vor.u32 v54, v31;
	v18 =	vadd.f32 v38, v18;
	v50 =	vadd.f32 v14, v10;
	v33 =	vld.idx.msk [tilespmem:v33+s21+$0x0], $0xffff  }
0xb5: {  	v10 =	vor.u32 v52, v31;
	v0 =	vadd.f32 v0, v17;
	v17 =	vmul.f32 v36, v43;
	v36 =	vld.idx.msk [tilespmem:v46+s22+$0x0], $0xffff  }
0xb6: {  	v43 =	vand.u32 $0x7, v51;
	v20 =	vor.u32 $0x50, v59;
	[tilespmem:$0x1FF00] =	vst v50;
	v50 =	vor.u32 v56, v29;
	v38 =	vld.idx.msk [tilespmem:v47+s22+$0x0], $0xffff  }
0xb7: {  	v60 =	vmul.f32 v45, v41;
	v45 =	vor.u32 v15, v43;
	v43 =	vor.u32 v55, v43;
	v41 =	vld.idx.msk [tilespmem:v1+s21+$0x0], $0xffff  }
0xb8: {  	v40 =	vor.u32 $0x10, v56;
	v22 =	vmul.f32 v22, v48;
	v13 =	vor.u32 v20, v43;
	v46 =	vld [tilespmem:$0x1FF90]  }
0xb9: {  	v16 =	vor.u32 v56, v26;
	v62 =	vor.u32 $0x20, v59;
	v18 =	vadd.f32 v44, v18;
	v54 =	vld.idx.msk [tilespmem:v54+s21+$0x0], $0xffff  }
0xba: {  	v22 =	vadd.f32 v22, v57;
	v57 =	vor.u32 v40, v29;
	v8 =	vmul.f32 v5, v3;
	v44 =	vld.idx.msk [tilespmem:v10+s21+$0x0], $0xffff  }
0xbb: {  	v47 =	vadd.f32 v49, v7;
	v7 =	vor.u32 $0x70, v59;
	v10 =	vmul.f32 v19, v28;
	v28 =	vld.idx.msk [tilespmem:v34+s22+$0x0], $0xffff  }
0xbc: {  	v1 =	vor.u32 v62, v45;
	v23 =	vadd.f32 v8, v2;
	v8 =	vadd.f32 v58, v12;
	v49 =	vld.idx.msk [tilespmem:v50+s22+$0x0], $0xffff  }
0xbd: {  	v19 =	vor.u32 v7, v45;
	v13 =	vld.idx.msk [tilespmem:v13+s22+$0x0], $0xffff  }
0xbe: {  	v6 =	vor.u32 $0x30, v56;
	v7 =	vor.u32 v7, v43;
	v8 =	vadd.f32 v4, v8;
	v4 =	vld [tilespmem:$0x1FFA0]  }
0xbf: {  	v30 =	vor.u32 $0x40, v56;
	v34 =	vor.u32 v59, v43;
	[tilespmem:$0x1FF10] =	vst v47;
	v14 =	vadd.f32 v61, v9;
	v9 =	vld.idx.msk [tilespmem:v57+s22+$0x0], $0xffff  }
0xc0: {  	v47 =	vor.u32 v20, v45;
	v50 =	vmul.f32 v36, v33;
	v36 =	vor.u32 v62, v43;
	v62 =	vld.idx.msk [tilespmem:v16+s21+$0x0], $0xffff  }
0xc1: {  	v53 =	vor.u32 $0x50, v56;
	v39 =	vmul.f32 v39, v42;
	v12 =	vor.u32 v63, v29;
	v1 =	vld.idx.msk [tilespmem:v1+s21+$0x0], $0xffff  }
0xc2: {  	v25 =	vmul.f32 v25, v35;
	v21 =	vor.u32 v6, v29;
	v42 =	vor.u32 $0x60, v59;
	v48 =	vld.idx.msk [tilespmem:v19+s21+$0x0], $0xffff  }
0xc3: {  	v33 =	vor.u32 v42, v45;
	v5 =	vadd.f32 v46, v18;
	v46 =	vld.idx.msk [tilespmem:v7+s22+$0x0], $0xffff;
	v7 =	vor.u32 $0x60, v56  }
0xc4: {  	v16 =	vor.u32 $0x30, v59;
	v2 =	vor.u32 v7, v26;
	v35 =	vor.u32 v7, v29;
	v7 =	vld.idx.msk [tilespmem:v34+s22+$0x0], $0xffff  }
0xc5: {  	v51 =	vor.u32 $0x10, v59;
	v0 =	vadd.f32 v10, v0;
	v10 =	vor.u32 v16, v45;
	v58 =	vld.idx.msk [tilespmem:v47+s21+$0x0], $0xffff  }
0xc6: {  	v61 =	vor.u32 v51, v43;
	v42 =	vor.u32 v42, v43;
	v16 =	vor.u32 v16, v43;
	v19 =	vld.idx.msk [tilespmem:v12+s22+$0x0], $0xffff  }
0xc7: {  	v24 =	vmul.f32 v28, v24;
	v47 =	vor.u32 $0x60, v52;
	v0 =	vadd.f32 v4, v0;
	v4 =	vld [tilespmem:$0x1FF80]  }
0xc8: {  	v18 =	vadd.f32 v27, v5;
	v20 =	vld.idx.msk [tilespmem:v33+s21+$0x0], $0xffff;
	v3 =	vmul.f32 v46, v48;
	v48 =	vor.u32 v47, v31  }
0xc9: {  	v34 =	vor.u32 v52, v32;
	[tilespmem:$0x1FF20] =	vst v49;
	v49 =	vor.u32 $0x40, v59;
	v59 =	vor.u32 v59, v45;
	v28 =	vld.idx.msk [tilespmem:v36+s22+$0x0], $0xffff  }
0xca: {  	v33 =	vor.u32 $0x20, v52;
	v36 =	vor.u32 v49, v43;
	v43 =	vor.u32 v49, v45;
	v5 =	vld.idx.msk [tilespmem:v10+s21+$0x0], $0xffff  }
0xcb: {  	v56 =	vor.u32 v33, v31;
	v16 =	vld.idx.msk [tilespmem:v16+s22+$0x0], $0xffff;
	v46 =	vor.u32 v6, v26;
	v6 =	vadd.f32 v60, v14  }
0xcc: {  	v2 =	vld.idx.msk [tilespmem:v2+s21+$0x0], $0xffff;
	[tilespmem:$0x1FF70] =	vst v3;
	v3 =	vor.u32 v47, v32;
	v4 =	vadd.f32 v4, v8  }
0xcd: {  	v63 =	vor.u32 v33, v32;
	v33 =	vor.u32 v53, v29;
	v14 =	vmul.f32 v38, v54;
	v8 =	vld.idx.msk [tilespmem:v48+s21+$0x0], $0xffff  }
0xce: {  	v34 =	vld.idx.msk [tilespmem:v34+s22+$0x0], $0xffff;
	v6 =	vadd.f32 v17, v6;
	v17 =	vadd.f32 v25, v0;
	v1 =	vmul.f32 v28, v1  }
0xcf: {  	v0 =	vor.u32 v40, v26;
	v40 =	vld.idx.msk [tilespmem:v59+s21+$0x0], $0xffff;
	v28 =	vor.u32 v53, v26;
	v12 =	vadd.f32 v11, v4  }
0xd0: {  	v37 =	vor.u32 $0x30, v52;
	v48 =	vadd.f32 v39, v22;
	v11 =	vld.idx.msk [tilespmem:v35+s22+$0x0], $0xffff;
	v39 =	vmul.f32 v13, v58;
	v4 =	vmovc v1  }
0xd1: {  	v35 =	vor.u32 $0x40, v52;
	v58 =	vor.u32 $0x50, v52;
	v3 =	vld.idx.msk [tilespmem:v3+s22+$0x0], $0xffff;
	[tilespmem:$0x1FF80] =	vst v4;
	v4 =	vlaneseq.u32  }
0xd2: {  	v60 =	vld.idx.msk [tilespmem:v56+s21+$0x0], $0xffff;
	v38 =	vor.u32 v58, v32;
	v13 =	vadd.s32 s30, v4;
	[tilespmem:$0x1FF60] =	vst v8;
	v8 =	vmul.f32 v16, v5  }
0xd3: {  	[tilespmem:$0x1FF40] =	vst v50;
	v25 =	vld.idx.msk [tilespmem:v63+s22+$0x0], $0xffff;
	v16 =	vor.u32 $0x10, v52;
	v5 =	vadd.f32 v24, v6;
	v47 =	vand.u32 $0x8, v13  }
0xd4: {  	[tilespmem:$0x1FFA0] =	vst v39;
	v1 =	vld.idx.msk [tilespmem:v42+s22+$0x0], $0xffff;
	v13 =	vand.u32 $0x7, v13;
	v42 =	vor.u32 v16, v31;
	v39 =	vor.u32 v16, v32  }
0xd5: {  	[tilespmem:$0x1FF30] =	vst v62;
	v22 =	vld.idx.msk [tilespmem:v61+s22+$0x0], $0xffff;
	v59 =	vor.u32 v15, v13;
	v13 =	vor.u32 v55, v13;
	v50 =	vor.u32 $0x70, v47  }
0xd6: {  	v46 =	vld.idx.msk [tilespmem:v46+s21+$0x0], $0xffff;
	v62 =	vor.u32 $0x20, v47;
	v56 =	vor.u32 $0x10, v47;
	[tilespmem:$0x1FFD0] =	vst v3;
	v3 =	vor.u32 v47, v59  }
0xd7: {  	v4 =	vld.idx.msk [tilespmem:v21+s22+$0x0], $0xffff;
	v21 =	vor.u32 $0x60, v47;
	v53 =	vor.u32 $0x30, v47;
	v63 =	vor.u32 v50, v59  }
0xd8: {  	v0 =	vld.idx.msk [tilespmem:v0+s21+$0x0], $0xffff;
	v49 =	vor.u32 $0x40, v47;
	v61 =	vor.u32 v47, v13;
	v6 =	vor.u32 v50, v13  }
0xd9: {  	[tilespmem:$0x1FF90] =	vst v8;
	v10 =	vor.u32 v56, v59;
	v8 =	vor.u32 v56, v13;
	v57 =	vor.u32 v21, v13  }
0xda: {  	v50 =	vor.u32 v21, v59;
	v21 =	vmul.f32 v11, v2;
	v11 =	vmul.f32 v25, v60;
	v25 =	vld.idx.msk [tilespmem:v38+s22+$0x0], $0xffff  }
0xdb: {  	[tilespmem:$0x1FFF0] =	vst v5;
	v5 =	vor.u32 v62, v13;
	v56 =	vor.u32 $0x50, v47;
	v47 =	vor.u32 v53, v13;
	v3 =	vld.idx.msk [tilespmem:v3+s21+$0x0], $0xffff  }
0xdc: {  	v16 =	vor.u32 v49, v13;
	v52 =	vor.u32 v56, v59;
	v56 =	vor.u32 v56, v13;
	v13 =	vld.idx.msk [tilespmem:v63+s21+$0x0], $0xffff  }
0xdd: {  	v62 =	vor.u32 v62, v59;
	v6 =	vld.idx.msk [tilespmem:v6+s22+$0x0], $0xffff  }
0xde: {  	v55 =	vor.u32 v53, v59;
	v53 =	vor.u32 v49, v59;
	v59 =	vld.idx.msk [tilespmem:v10+s21+$0x0], $0xffff  }
0xdf: {  	v20 =	vmul.f32 v1, v20;
	v1 =	vld.idx.msk [tilespmem:v57+s22+$0x0], $0xffff  }
0xe0: {  	v10 =	vld.idx.msk [tilespmem:v61+s22+$0x0], $0xffff  }
0xe1: {  	v54 =	vor.u32 v30, v26;
	v24 =	vor.u32 v35, v31;
	v26 =	vld.idx.msk [tilespmem:v50+s21+$0x0], $0xffff  }
0xe2: {  	v49 =	vmul.f32 v34, v44;
	v34 =	vor.u32 v35, v32;
	v35 =	vor.u32 v58, v31;
	v58 =	vld.idx.msk [tilespmem:v62+s21+$0x0], $0xffff  }
0xe3: {  	v61 =	vld.idx.msk [tilespmem:v8+s22+$0x0], $0xffff  }
0xe4: {  	v8 =	vld [tilespmem:$0x1FF00]  }
0xe5: {  	v38 =	vld.idx.msk [tilespmem:v47+s22+$0x0], $0xffff  }
0xe6: {  	v47 =	vld [tilespmem:$0x1FF10]  }
0xe7: {  	v50 =	vld [tilespmem:$0x1FF20]  }
0xe8: {  	v62 =	vld [tilespmem:$0x1FF30]  }
0xe9: {  	p0 =	sne.s32 s31, $0xC;
	v44 =	vmul.f32 v4, v46;
	v4 =	vor.u32 v30, v29;
	v63 =	vld [tilespmem:$0x1FF40]  }
.Ltmp1:
0xea: {  	v6 =	vmul.f32 v6, v13;
	(pc) =	sbr.rel @p0 .LBB2_6-.Ltmp1, $4  }
0xeb: {  	v27 =	vor.u32 v37, v32;
	v37 =	vor.u32 v37, v31  }
0xec: {  	v57 =	vor.u32 v51, v45;
	v51 =	vld.idx.msk [tilespmem:v16+s22+$0x0], $0xffff;
	v3 =	vmul.f32 v10, v3;
	v6 =	vadd.f32 v6, v8  }
0xed: {  	s2 =	sadd.s32 $0x4, s31;
	v60 =	vmul.f32 v9, v0;
	v9 =	vmov v41;
	v41 =	vld.idx.msk [tilespmem:v5+s22+$0x0], $0xffff;
	v29 =	vmul.f32 v1, v26  }
0xee: {  	s31 =	smov.u32 s2;
	v45 =	vld.idx.msk [tilespmem:v4+s22+$0x0], $0xffff;
	v30 =	vmul.f32 v50, v62;
	v31 =	vadd.f32 v3, v47;
	v26 =	vadd.f32 v63, v6  }
0xef: {  	_ =	sdelay $0x3  }
0xf0: {  	v2 =	vld.idx.msk [tilespmem:v57+s21+$0x0], $0xffff  }
0xf1: {  	v0 =	vmul.f32 v7, v40;
	v3 =	vmul.f32 v61, v59;
	v1 =	vadd.f32 v30, v31  }
0xf2: {  	v4 =	vld.idx.msk [tilespmem:v39+s22+$0x0], $0xffff  }
0xf3: {  	v3 =	vadd.f32 v3, v48;
	v0 =	vadd.f32 v0, v1;
	v1 =	vld.idx.msk [tilespmem:v42+s21+$0x0], $0xffff;
	_ =	sdelay $0x1  }
0xf4: {  	v3 =	vadd.f32 v60, v3;
	v0 =	vadd.f32 v49, v0;
	v2 =	vmul.f32 v22, v2;
	_ =	sdelay $0x1  }
0xf5: {  	v61 =	vld [tilespmem:$0x1FFB0];
	v0 =	vmul.f32 $2.500000000e-01, v0;
	v2 =	vadd.f32 v2, v3;
	v3 =	vmul.f32 v41, v58  }
0xf6: {  	v1 =	vmul.f32 v4, v1  }
0xf7: {  	v5 =	vld.idx.msk [tilespmem:v56+s22+$0x0], $0xffff;
	v60 =	vlaneseq.u32;
	v0 =	vmax.f32 v0, $-5.000000000e+00;
	v3 =	vadd.f32 v3, v12  }
0xf8: {  	s30 =	simm.s32 $0x0;
	v6 =	vld.idx.msk [tilespmem:v52+s21+$0x0], $0xffff;
	v0 =	vmin.f32 v0, $5.000000000e+00;
	v1 =	vadd.f32 v1, v2;
	v2 =	vmul.f32 v19, v9  }
0xf9: {  	v8 =	vld.idx.msk [tilespmem:v53+s21+$0x0], $0xffff;
	v30 =	vadd.s32 s30, v60;
	v0 =	vmul.f32 $1.442695020e+00, v0  }
0xfa: {  	v7 =	vor.u32 $0x80, v61;
	v32 =	vand.u32 $0xF, v30;
	v3 =	vadd.f32 v2, v3;
	v2 =	vld [tilespmem:$0x1FF50]  }
0xfb: {  	v9 =	vld [tilespmem:$0x1FF80];
	(erf) = vpow2.f32 v0;
	v0 =	vor.u32 v32, v7  }
0xfc: {  	v10 =	vld.idx.msk [tilespmem:v37+s21+$0x0], $0xffff  }
0xfd: {  	v13 =	vld.idx.msk [tilespmem:v43+s21+$0x0], $0xffff  }
0xfe: {  	v4 =	vld.idx.msk [tilespmem:v55+s21+$0x0], $0xffff  }
0xff: {  	v12 =	vld.idx.msk [tilespmem:v27+s22+$0x0], $0xffff;
	v2 =	vmul.u32 $0x88, v2  }
0x100: {  	v27 =	vand.u32 $0x8, v30;
	v3 =	vadd.f32 v9, v3;
	v0 =	vld.idx.msk [tilespmem:v0+s21+$0x0], $0xffff  }
0x101: {  	v15 =	vld.idx.msk [tilespmem:v36+s22+$0x0], $0xffff;
	v31 =	vand.u32 $0x7, v30;
	v1 =	vmul.f32 $2.500000000e-01, v1;
	v22 =	vadd.s32 v2, v27  }
0x102: {  	v16 =	vld.idx.msk [tilespmem:v33+s22+$0x0], $0xffff;
	v22 =	vor.u32 v31, v22  }
0x103: {  	v62 =	vld.idx.msk [tilespmem:v54+s21+$0x0], $0xffff;
	v1 =	vmax.f32 v1, $-5.000000000e+00  }
0x104: {  	v28 =	vld.idx.msk [tilespmem:v28+s21+$0x0], $0xffff;
	v4 =	vmul.f32 v38, v4;
	v1 =	vmin.f32 v1, $5.000000000e+00;
	v11 =	vadd.f32 v11, v3;
	v3 =	vpop (erf)  }
0x105: {  	v24 =	vld.idx.msk [tilespmem:v24+s21+$0x0], $0xffff;
	v1 =	vmul.f32 $1.442695020e+00, v1;
	v0 =	vmul.f32 v0, v3  }
0x106: {  	v63 =	vld.idx.msk [tilespmem:v35+s21+$0x0], $0xffff;
	v9 =	vor.u32 $0x90, v61;
	v4 =	vadd.f32 v4, v18  }
0x107: {  	v18 =	vld.idx.msk [tilespmem:v34+s22+$0x0], $0xffff;
	(erf) = vpow2.f32 v1;
	v1 =	vor.u32 v30, v9;
	[tilespmem:v22+s18+$0x0] =	vst.idx.msk $0xffff, v0  }
0x108: {  	v0 =	vmul.f32 v12, v10;
	v12 =	vld [tilespmem:$0x1FF90];
	_ =	sdelay $0x1  }
0x109: {  	v11 =	vmul.f32 $2.500000000e-01, v11  }
0x10a: {  	v4 =	vadd.f32 v44, v4  }
0x10b: {  	v11 =	vmax.f32 v11, $-5.000000000e+00;
	v1 =	vld.idx.msk [tilespmem:v1+s21+$0x0], $0xffff  }
0x10c: {  	v10 =	vmin.f32 v11, $5.000000000e+00;
	v11 =	vadd.s32 $0x10, v2;
	v19 =	vld [tilespmem:$0x1FFF0];
	v4 =	vadd.f32 v12, v4  }
0x10d: {  	v10 =	vmul.f32 $1.442695020e+00, v10;
	v22 =	vadd.s32 v27, v11  }
0x10e: {  	v22 =	vor.u32 v31, v22;
	v12 =	vor.u32 $0xA0, v61  }
0x10f: {  	v8 =	vmul.f32 v51, v8;
	(erf) = vpow2.f32 v10;
	v10 =	vor.u32 v32, v12  }
0x110: {  	v0 =	vadd.f32 v0, v4;
	v4 =	vpop (erf)  }
0x111: {  	v33 =	vmul.f32 v45, v62;
	v8 =	vadd.f32 v8, v19;
	v1 =	vmul.f32 v1, v4;
	_ =	sdelay $0x1  }
0x112: {  	v13 =	vmul.f32 v15, v13;
	v8 =	vadd.f32 v33, v8;
	[tilespmem:v22+s18+$0x0] =	vst.idx.msk $0xffff, v1  }
0x113: {  	v37 =	vadd.s32 $0x20, v2;
	v10 =	vld.idx.msk [tilespmem:v10+s21+$0x0], $0xffff  }
0x114: {  	v8 =	vadd.f32 v13, v8;
	v13 =	vadd.s32 v27, v37  }
0x115: {  	v0 =	vmul.f32 $2.500000000e-01, v0;
	v13 =	vor.u32 v31, v13;
	_ =	sdelay $0x1  }
0x116: {  	v6 =	vmul.f32 v5, v6;
	v0 =	vmax.f32 v0, $-5.000000000e+00;
	v5 =	vpop (erf)  }
0x117: {  	v0 =	vmin.f32 v0, $5.000000000e+00;
	v10 =	vmul.f32 v10, v5  }
0x118: {  	v0 =	vmul.f32 $1.442695020e+00, v0  }
0x119: {  	v15 =	vor.u32 $0xB0, v61;
	v1 =	vmul.f32 v18, v24;
	[tilespmem:v13+s18+$0x0] =	vst.idx.msk $0xffff, v10  }
0x11a: {  	(erf) = vpow2.f32 v0;
	v0 =	vor.u32 v30, v15;
	v10 =	vld [tilespmem:$0x1FFA0]  }
0x11b: {  	v6 =	vadd.f32 v6, v17;
	v1 =	vadd.f32 v1, v8;
	v8 =	vmul.f32 v16, v28;
	_ =	sdelay $0x1  }
0x11c: {  	v6 =	vadd.f32 v8, v6;
	_ =	sdelay $0x1  }
0x11d: {  	v17 =	vadd.s32 $0x30, v2;
	v0 =	vld.idx.msk [tilespmem:v0+s21+$0x0], $0xffff;
	v6 =	vadd.f32 v10, v6  }
0x11e: {  	v10 =	vadd.s32 v27, v17  }
0x11f: {  	v1 =	vmul.f32 $2.500000000e-01, v1;
	v8 =	vmul.f32 v25, v63;
	v10 =	vor.u32 v31, v10;
	_ =	sdelay $0x1  }
0x120: {  	v1 =	vmax.f32 v1, $-5.000000000e+00;
	v8 =	vadd.f32 v8, v6;
	v6 =	vpop (erf)  }
0x121: {  	v1 =	vmin.f32 v1, $5.000000000e+00;
	v0 =	vmul.f32 v0, v6  }
0x122: {  	v1 =	vmul.f32 $1.442695020e+00, v1  }
0x123: {  	v18 =	vor.u32 $0xC0, v61;
	[tilespmem:v10+s18+$0x0] =	vst.idx.msk $0xffff, v0  }
0x124: {  	(erf) = vpow2.f32 v1;
	v1 =	vor.u32 v32, v18;
	v0 =	vld [tilespmem:$0x1FF60]  }
0x125: {  	v8 =	vmul.f32 $2.500000000e-01, v8;
	v10 =	vld [tilespmem:$0x1FFD0]  }
0x126: {  	v13 =	vadd.f32 v29, v23  }
0x127: {  	v8 =	vmax.f32 v8, $-5.000000000e+00  }
0x128: {  	v13 =	vadd.f32 v21, v13;
	v8 =	vmin.f32 v8, $5.000000000e+00  }
0x129: {  	v19 =	vadd.s32 $0x40, v2;
	v1 =	vld.idx.msk [tilespmem:v1+s21+$0x0], $0xffff;
	v8 =	vmul.f32 $1.442695020e+00, v8  }
0x12a: {  	v0 =	vmul.f32 v10, v0;
	v10 =	vadd.f32 v20, v13;
	v13 =	vadd.s32 v27, v19  }
0x12b: {  	v20 =	vor.u32 $0xD0, v61;
	v13 =	vor.u32 v31, v13  }
0x12c: {  	v0 =	vadd.f32 v0, v10;
	v10 =	vor.u32 v30, v20  }
0x12d: {  	(erf) = vpow2.f32 v8;
	v8 =	vpop (erf)  }
0x12e: {  	v1 =	vmul.f32 v1, v8;
	_ =	sdelay $0x1  }
0x12f: {  	[tilespmem:v13+s18+$0x0] =	vst.idx.msk $0xffff, v1  }
0x130: {  	v1 =	vld.idx.msk [tilespmem:v10+s21+$0x0], $0xffff  }
0x131: {  	v10 =	vld [tilespmem:$0x1FF70];
	_ =	sdelay $0x1  }
0x132: {  	v0 =	vmul.f32 $2.500000000e-01, v0;
	_ =	sdelay $0x1  }
0x133: {  	v0 =	vmax.f32 v0, $-5.000000000e+00  }
0x134: {  	v21 =	vadd.s32 $0x50, v2;
	v0 =	vmin.f32 v0, $5.000000000e+00;
	v10 =	vadd.f32 v10, v26  }
0x135: {  	v13 =	vadd.s32 v27, v21;
	v0 =	vmul.f32 $1.442695020e+00, v0  }
0x136: {  	v22 =	vor.u32 $0xE0, v61;
	v13 =	vor.u32 v31, v13  }
0x137: {  	(erf) = vpow2.f32 v0;
	v0 =	vor.u32 v32, v22;
	v16 =	vadd.f32 v14, v10  }
0x138: {  	v10 =	vpop (erf)  }
0x139: {  	v16 =	vmul.f32 $2.500000000e-01, v16;
	v1 =	vmul.f32 v1, v10;
	_ =	sdelay $0x1  }
0x13a: {  	v16 =	vmax.f32 v16, $-5.000000000e+00;
	[tilespmem:v13+s18+$0x0] =	vst.idx.msk $0xffff, v1  }
0x13b: {  	v24 =	vadd.s32 $0x60, v2;
	v1 =	vmin.f32 v16, $5.000000000e+00;
	v0 =	vld.idx.msk [tilespmem:v0+s21+$0x0], $0xffff  }
0x13c: {  	v13 =	vadd.s32 v27, v24;
	v1 =	vmul.f32 $1.442695020e+00, v1  }
0x13d: {  	v25 =	vor.u32 $0xF0, v61;
	v16 =	vor.u32 v31, v13  }
0x13e: {  	(erf) = vpow2.f32 v1;
	v1 =	vor.u32 v30, v25  }
0x13f: {  	v13 =	vpop (erf)  }
0x140: {  	v0 =	vmul.f32 v0, v13;
	_ =	sdelay $0x1  }
0x141: {  	[tilespmem:v16+s18+$0x0] =	vst.idx.msk $0xffff, v0  }
0x142: {  	s0 =	simm.s32 $0x1;
	v23 =	vadd.s32 $0x70, v2;
	v0 =	vld.idx.msk [tilespmem:v1+s21+$0x0], $0xffff  }
0x143: {  	v26 =	vadd.s32 s0, v60;
	v1 =	vadd.s32 v27, v23  }
0x144: {  	v27 =	vand.u32 $0xF, v26;
	v1 =	vor.u32 v31, v1  }
0x145: {  	v28 =	vor.u32 v7, v27  }
0x146: {  	v16 =	vpop (erf)  }
0x147: {  	v0 =	vmul.f32 v0, v16;
	_ =	sdelay $0x1  }
0x148: {  	[tilespmem:v1+s18+$0x0] =	vst.idx.msk $0xffff, v0  }
0x149: {  	v1 =	vand.u32 $0x8, v26;
	v0 =	vld.idx.msk [tilespmem:v28+s21+$0x0], $0xffff  }
0x14a: {  	v29 =	vand.u32 $0x7, v26;
	v26 =	vadd.s32 v2, v1  }
0x14b: {  	v26 =	vor.u32 v29, v26  }
0x14c: {  	v28 =	vor.u32 v9, v27;
	_ =	sdelay $0x1  }
0x14d: {  	v0 =	vmul.f32 v0, v3;
	_ =	sdelay $0x1  }
0x14e: {  	[tilespmem:v26+s18+$0x0] =	vst.idx.msk $0xffff, v0  }
0x14f: {  	v0 =	vld.idx.msk [tilespmem:v28+s21+$0x0], $0xffff  }
0x150: {  	v26 =	vadd.s32 v1, v11  }
0x151: {  	v26 =	vor.u32 v29, v26  }
0x152: {  	v28 =	vor.u32 v12, v27;
	_ =	sdelay $0x1  }
0x153: {  	v0 =	vmul.f32 v0, v4;
	_ =	sdelay $0x1  }
0x154: {  	[tilespmem:v26+s18+$0x0] =	vst.idx.msk $0xffff, v0  }
0x155: {  	v0 =	vld.idx.msk [tilespmem:v28+s21+$0x0], $0xffff  }
0x156: {  	v26 =	vadd.s32 v1, v37  }
0x157: {  	v26 =	vor.u32 v29, v26  }
0x158: {  	v28 =	vor.u32 v15, v27;
	_ =	sdelay $0x1  }
0x159: {  	v0 =	vmul.f32 v0, v5;
	_ =	sdelay $0x1  }
0x15a: {  	[tilespmem:v26+s18+$0x0] =	vst.idx.msk $0xffff, v0  }
0x15b: {  	v0 =	vld.idx.msk [tilespmem:v28+s21+$0x0], $0xffff  }
0x15c: {  	v26 =	vadd.s32 v1, v17  }
0x15d: {  	v26 =	vor.u32 v29, v26  }
0x15e: {  	v28 =	vor.u32 v18, v27;
	_ =	sdelay $0x1  }
0x15f: {  	v0 =	vmul.f32 v0, v6;
	_ =	sdelay $0x1  }
0x160: {  	[tilespmem:v26+s18+$0x0] =	vst.idx.msk $0xffff, v0  }
0x161: {  	v0 =	vld.idx.msk [tilespmem:v28+s21+$0x0], $0xffff  }
0x162: {  	v26 =	vadd.s32 v1, v19  }
0x163: {  	v26 =	vor.u32 v29, v26  }
0x164: {  	v28 =	vor.u32 v20, v27;
	_ =	sdelay $0x1  }
0x165: {  	v0 =	vmul.f32 v0, v8;
	_ =	sdelay $0x1  }
0x166: {  	[tilespmem:v26+s18+$0x0] =	vst.idx.msk $0xffff, v0  }
0x167: {  	v0 =	vld.idx.msk [tilespmem:v28+s21+$0x0], $0xffff  }
0x168: {  	v26 =	vadd.s32 v1, v21  }
0x169: {  	v26 =	vor.u32 v29, v26  }
0x16a: {  	v28 =	vor.u32 v22, v27;
	_ =	sdelay $0x1  }
0x16b: {  	v0 =	vmul.f32 v0, v10;
	_ =	sdelay $0x1  }
0x16c: {  	[tilespmem:v26+s18+$0x0] =	vst.idx.msk $0xffff, v0  }
0x16d: {  	v0 =	vld.idx.msk [tilespmem:v28+s21+$0x0], $0xffff  }
0x16e: {  	v26 =	vadd.s32 v1, v24  }
0x16f: {  	v26 =	vor.u32 v29, v26  }
0x170: {  	v27 =	vor.u32 v25, v27;
	_ =	sdelay $0x1  }
0x171: {  	v0 =	vmul.f32 v0, v13;
	_ =	sdelay $0x1  }
0x172: {  	[tilespmem:v26+s18+$0x0] =	vst.idx.msk $0xffff, v0  }
0x173: {  	s4 =	simm.s32 $0x2;
	v32 =	vld.idx.msk [tilespmem:v27+s21+$0x0], $0xffff  }
0x174: {  	v28 =	vadd.s32 s4, v60;
	v0 =	vadd.s32 v1, v23  }
0x175: {  	v26 =	vand.u32 $0xF, v28;
	v29 =	vor.u32 v29, v0  }
0x176: {  	s31 =	simm.s32 $0x4;
	v30 =	vor.u32 v7, v26  }
0x177: {  	s2 =	simm.s32 $0x8;
	v46 =	vlaneseq.u32;
	v27 =	vadd.s32 s31, v60  }
.LBB2_8:
0x178: {  	p0 =	sne.s32 s2, $0xC;
	v33 =	vand.u32 $0xF, v27;
	v0 =	vmul.f32 v32, v16  }
0x179: {  	v1 =	vor.u32 v33, v7  }
0x17a: {  	[tilespmem:v29+s18+$0x0] =	vst.idx.msk $0xffff, v0  }
0x17b: {  	v0 =	vld.idx.msk [tilespmem:v30+s21+$0x0], $0xffff  }
0x17c: {  	v31 =	vand.u32 $0x8, v28  }
0x17d: {  	v30 =	vand.u32 $0x7, v28;
	v28 =	vadd.s32 v2, v31  }
0x17e: {  	v32 =	vor.u32 v30, v28;
	v1 =	vld.idx.msk [tilespmem:v1+s21+$0x0], $0xffff  }
0x17f: {  	v34 =	vor.u32 v9, v26;
	v28 =	vand.u32 $0x8, v27  }
0x180: {  	v29 =	vand.u32 $0x7, v27;
	v35 =	vadd.s32 v2, v28  }
0x181: {  	v35 =	vor.u32 v29, v35;
	v0 =	vmul.f32 v0, v3  }
0x182: {  	v36 =	vor.u32 v27, v9  }
0x183: {  	[tilespmem:v32+s18+$0x0] =	vst.idx.msk $0xffff, v0  }
0x184: {  	v0 =	vmul.f32 v1, v3;
	v1 =	vld.idx.msk [tilespmem:v34+s21+$0x0], $0xffff;
	_ =	sdelay $0x1  }
0x185: {  	[tilespmem:v35+s18+$0x0] =	vst.idx.msk $0xffff, v0;
	v0 =	vadd.s32 v31, v11  }
0x186: {  	v32 =	vld.idx.msk [tilespmem:v36+s21+$0x0], $0xffff;
	v0 =	vor.u32 v30, v0  }
0x187: {  	v34 =	vor.u32 v12, v26  }
0x188: {  	v35 =	vadd.s32 v28, v11  }
0x189: {  	v35 =	vor.u32 v29, v35;
	v1 =	vmul.f32 v1, v4  }
0x18a: {  	v36 =	vor.u32 v33, v12  }
0x18b: {  	[tilespmem:v0+s18+$0x0] =	vst.idx.msk $0xffff, v1  }
0x18c: {  	v0 =	vmul.f32 v32, v4;
	v1 =	vld.idx.msk [tilespmem:v34+s21+$0x0], $0xffff;
	_ =	sdelay $0x1  }
0x18d: {  	[tilespmem:v35+s18+$0x0] =	vst.idx.msk $0xffff, v0;
	v0 =	vadd.s32 v31, v37  }
0x18e: {  	v32 =	vld.idx.msk [tilespmem:v36+s21+$0x0], $0xffff;
	v0 =	vor.u32 v30, v0  }
0x18f: {  	v34 =	vor.u32 v15, v26  }
0x190: {  	v35 =	vadd.s32 v28, v37  }
0x191: {  	v35 =	vor.u32 v29, v35;
	v1 =	vmul.f32 v1, v5  }
0x192: {  	v36 =	vor.u32 v27, v15  }
0x193: {  	[tilespmem:v0+s18+$0x0] =	vst.idx.msk $0xffff, v1  }
0x194: {  	v0 =	vmul.f32 v32, v5;
	v1 =	vld.idx.msk [tilespmem:v34+s21+$0x0], $0xffff;
	_ =	sdelay $0x1  }
0x195: {  	[tilespmem:v35+s18+$0x0] =	vst.idx.msk $0xffff, v0;
	v0 =	vadd.s32 v31, v17  }
0x196: {  	v32 =	vld.idx.msk [tilespmem:v36+s21+$0x0], $0xffff;
	v0 =	vor.u32 v30, v0  }
0x197: {  	v34 =	vor.u32 v18, v26  }
0x198: {  	v35 =	vadd.s32 v28, v17  }
0x199: {  	v35 =	vor.u32 v29, v35;
	v1 =	vmul.f32 v1, v6  }
0x19a: {  	v36 =	vor.u32 v33, v18  }
0x19b: {  	[tilespmem:v0+s18+$0x0] =	vst.idx.msk $0xffff, v1  }
0x19c: {  	v0 =	vmul.f32 v32, v6;
	v1 =	vld.idx.msk [tilespmem:v34+s21+$0x0], $0xffff;
	_ =	sdelay $0x1  }
0x19d: {  	[tilespmem:v35+s18+$0x0] =	vst.idx.msk $0xffff, v0;
	v0 =	vadd.s32 v31, v19  }
0x19e: {  	v32 =	vld.idx.msk [tilespmem:v36+s21+$0x0], $0xffff;
	v0 =	vor.u32 v30, v0  }
0x19f: {  	v34 =	vor.u32 v20, v26  }
0x1a0: {  	v35 =	vadd.s32 v28, v19  }
0x1a1: {  	v35 =	vor.u32 v29, v35;
	v1 =	vmul.f32 v1, v8  }
0x1a2: {  	v36 =	vor.u32 v27, v20  }
0x1a3: {  	[tilespmem:v0+s18+$0x0] =	vst.idx.msk $0xffff, v1  }
0x1a4: {  	v0 =	vmul.f32 v32, v8;
	v1 =	vld.idx.msk [tilespmem:v34+s21+$0x0], $0xffff;
	_ =	sdelay $0x1  }
0x1a5: {  	[tilespmem:v35+s18+$0x0] =	vst.idx.msk $0xffff, v0;
	v0 =	vadd.s32 v31, v21  }
0x1a6: {  	v32 =	vld.idx.msk [tilespmem:v36+s21+$0x0], $0xffff;
	v0 =	vor.u32 v30, v0  }
0x1a7: {  	v34 =	vor.u32 v22, v26  }
0x1a8: {  	v35 =	vadd.s32 v28, v21  }
0x1a9: {  	v35 =	vor.u32 v29, v35;
	v1 =	vmul.f32 v1, v10  }
0x1aa: {  	v33 =	vor.u32 v33, v22  }
0x1ab: {  	[tilespmem:v0+s18+$0x0] =	vst.idx.msk $0xffff, v1  }
0x1ac: {  	v0 =	vmul.f32 v32, v10;
	v1 =	vld.idx.msk [tilespmem:v34+s21+$0x0], $0xffff;
	_ =	sdelay $0x1  }
0x1ad: {  	[tilespmem:v35+s18+$0x0] =	vst.idx.msk $0xffff, v0;
	v0 =	vadd.s32 v31, v24  }
0x1ae: {  	v32 =	vld.idx.msk [tilespmem:v33+s21+$0x0], $0xffff;
	v0 =	vor.u32 v30, v0  }
0x1af: {  	v26 =	vor.u32 v25, v26  }
0x1b0: {  	v33 =	vadd.s32 v28, v24  }
0x1b1: {  	v33 =	vor.u32 v29, v33;
	v1 =	vmul.f32 v1, v13  }
0x1b2: {  	v27 =	vor.u32 v27, v25  }
0x1b3: {  	[tilespmem:v0+s18+$0x0] =	vst.idx.msk $0xffff, v1  }
0x1b4: {  	v0 =	vmul.f32 v32, v13;
	v1 =	vld.idx.msk [tilespmem:v26+s21+$0x0], $0xffff  }
0x1b5: {  	s0 =	sadd.s32 $0x3, s30;
	s30 =	smov.u32 s31;
	s31 =	smov.u32 s2  }
0x1b6: {  	[tilespmem:v33+s18+$0x0] =	vst.idx.msk $0xffff, v0;
	v0 =	vadd.s32 v31, v23;
	v31 =	vadd.s32 s0, v46  }
0x1b7: {  	v32 =	vld.idx.msk [tilespmem:v27+s21+$0x0], $0xffff;
	v0 =	vor.u32 v30, v0;
	v26 =	vand.u32 $0xF, v31  }
0x1b8: {  	s0 =	sadd.s32 $0x1, s30;
	v30 =	vor.u32 v7, v26  }
0x1b9: {  	v27 =	vadd.s32 v28, v23;
	v33 =	vadd.s32 s0, v46  }
0x1ba: {  	v29 =	vor.u32 v29, v27;
	v27 =	vand.u32 $0xF, v33;
	v1 =	vmul.f32 v1, v16  }
0x1bb: {  	v34 =	vor.u32 v7, v27  }
0x1bc: {  	[tilespmem:v0+s18+$0x0] =	vst.idx.msk $0xffff, v1  }
0x1bd: {  	v0 =	vmul.f32 v32, v16;
	v1 =	vld.idx.msk [tilespmem:v30+s21+$0x0], $0xffff  }
0x1be: {  	v28 =	vand.u32 $0x8, v31  }
0x1bf: {  	[tilespmem:v29+s18+$0x0] =	vst.idx.msk $0xffff, v0;
	v29 =	vand.u32 $0x7, v31;
	v0 =	vadd.s32 v2, v28  }
0x1c0: {  	v32 =	vld.idx.msk [tilespmem:v34+s21+$0x0], $0xffff;
	v0 =	vor.u32 v29, v0  }
0x1c1: {  	v30 =	vand.u32 $0x8, v33;
	v34 =	vor.u32 v9, v26  }
0x1c2: {  	v31 =	vand.u32 $0x7, v33;
	v33 =	vadd.s32 v2, v30  }
0x1c3: {  	v33 =	vor.u32 v31, v33;
	v1 =	vmul.f32 v1, v3  }
0x1c4: {  	v35 =	vor.u32 v9, v27  }
0x1c5: {  	[tilespmem:v0+s18+$0x0] =	vst.idx.msk $0xffff, v1  }
0x1c6: {  	v0 =	vmul.f32 v32, v3;
	v1 =	vld.idx.msk [tilespmem:v34+s21+$0x0], $0xffff;
	_ =	sdelay $0x1  }
0x1c7: {  	[tilespmem:v33+s18+$0x0] =	vst.idx.msk $0xffff, v0;
	v0 =	vadd.s32 v28, v11  }
0x1c8: {  	v32 =	vld.idx.msk [tilespmem:v35+s21+$0x0], $0xffff;
	v0 =	vor.u32 v29, v0  }
0x1c9: {  	v33 =	vor.u32 v12, v26  }
0x1ca: {  	v34 =	vadd.s32 v30, v11  }
0x1cb: {  	v34 =	vor.u32 v31, v34;
	v1 =	vmul.f32 v1, v4  }
0x1cc: {  	v35 =	vor.u32 v12, v27  }
0x1cd: {  	[tilespmem:v0+s18+$0x0] =	vst.idx.msk $0xffff, v1  }
0x1ce: {  	v0 =	vmul.f32 v32, v4;
	v1 =	vld.idx.msk [tilespmem:v33+s21+$0x0], $0xffff;
	_ =	sdelay $0x1  }
0x1cf: {  	[tilespmem:v34+s18+$0x0] =	vst.idx.msk $0xffff, v0;
	v0 =	vadd.s32 v28, v37  }
0x1d0: {  	v32 =	vld.idx.msk [tilespmem:v35+s21+$0x0], $0xffff;
	v0 =	vor.u32 v29, v0  }
0x1d1: {  	v33 =	vor.u32 v15, v26  }
0x1d2: {  	v34 =	vadd.s32 v30, v37  }
0x1d3: {  	v34 =	vor.u32 v31, v34;
	v1 =	vmul.f32 v1, v5  }
0x1d4: {  	v35 =	vor.u32 v15, v27  }
0x1d5: {  	[tilespmem:v0+s18+$0x0] =	vst.idx.msk $0xffff, v1  }
0x1d6: {  	v0 =	vmul.f32 v32, v5;
	v1 =	vld.idx.msk [tilespmem:v33+s21+$0x0], $0xffff;
	_ =	sdelay $0x1  }
0x1d7: {  	[tilespmem:v34+s18+$0x0] =	vst.idx.msk $0xffff, v0;
	v0 =	vadd.s32 v28, v17  }
0x1d8: {  	v32 =	vld.idx.msk [tilespmem:v35+s21+$0x0], $0xffff;
	v0 =	vor.u32 v29, v0  }
0x1d9: {  	v33 =	vor.u32 v18, v26  }
0x1da: {  	v34 =	vadd.s32 v30, v17  }
0x1db: {  	v34 =	vor.u32 v31, v34;
	v1 =	vmul.f32 v1, v6  }
0x1dc: {  	v35 =	vor.u32 v18, v27  }
0x1dd: {  	[tilespmem:v0+s18+$0x0] =	vst.idx.msk $0xffff, v1  }
0x1de: {  	v0 =	vmul.f32 v32, v6;
	v1 =	vld.idx.msk [tilespmem:v33+s21+$0x0], $0xffff;
	_ =	sdelay $0x1  }
0x1df: {  	[tilespmem:v34+s18+$0x0] =	vst.idx.msk $0xffff, v0;
	v0 =	vadd.s32 v28, v19  }
0x1e0: {  	v32 =	vld.idx.msk [tilespmem:v35+s21+$0x0], $0xffff;
	v0 =	vor.u32 v29, v0  }
0x1e1: {  	v33 =	vor.u32 v20, v26  }
0x1e2: {  	v34 =	vadd.s32 v30, v19  }
0x1e3: {  	v34 =	vor.u32 v31, v34;
	v1 =	vmul.f32 v1, v8  }
0x1e4: {  	v35 =	vor.u32 v20, v27  }
0x1e5: {  	[tilespmem:v0+s18+$0x0] =	vst.idx.msk $0xffff, v1  }
0x1e6: {  	v0 =	vmul.f32 v32, v8;
	v1 =	vld.idx.msk [tilespmem:v33+s21+$0x0], $0xffff;
	_ =	sdelay $0x1  }
0x1e7: {  	[tilespmem:v34+s18+$0x0] =	vst.idx.msk $0xffff, v0;
	v0 =	vadd.s32 v28, v21  }
0x1e8: {  	v32 =	vld.idx.msk [tilespmem:v35+s21+$0x0], $0xffff;
	v0 =	vor.u32 v29, v0  }
0x1e9: {  	v33 =	vor.u32 v22, v26  }
0x1ea: {  	v34 =	vadd.s32 v30, v21  }
0x1eb: {  	v34 =	vor.u32 v31, v34;
	v1 =	vmul.f32 v1, v10  }
0x1ec: {  	v35 =	vor.u32 v22, v27  }
0x1ed: {  	[tilespmem:v0+s18+$0x0] =	vst.idx.msk $0xffff, v1  }
0x1ee: {  	v0 =	vmul.f32 v32, v10;
	v1 =	vld.idx.msk [tilespmem:v33+s21+$0x0], $0xffff;
	_ =	sdelay $0x1  }
0x1ef: {  	[tilespmem:v34+s18+$0x0] =	vst.idx.msk $0xffff, v0;
	v0 =	vadd.s32 v28, v24  }
0x1f0: {  	v32 =	vld.idx.msk [tilespmem:v35+s21+$0x0], $0xffff;
	v0 =	vor.u32 v29, v0  }
0x1f1: {  	v26 =	vor.u32 v25, v26  }
0x1f2: {  	v33 =	vadd.s32 v30, v24  }
0x1f3: {  	v33 =	vor.u32 v31, v33;
	v1 =	vmul.f32 v1, v13  }
0x1f4: {  	v27 =	vor.u32 v25, v27  }
0x1f5: {  	[tilespmem:v0+s18+$0x0] =	vst.idx.msk $0xffff, v1  }
0x1f6: {  	v0 =	vmul.f32 v32, v13;
	v1 =	vld.idx.msk [tilespmem:v26+s21+$0x0], $0xffff;
	_ =	sdelay $0x1  }
0x1f7: {  	[tilespmem:v33+s18+$0x0] =	vst.idx.msk $0xffff, v0;
	v0 =	vadd.s32 v28, v23  }
0x1f8: {  	v32 =	vld.idx.msk [tilespmem:v27+s21+$0x0], $0xffff;
	v0 =	vor.u32 v29, v0  }
.Ltmp2:
0x1f9: {  	s0 =	sadd.s32 $0x2, s30;
	(pc) =	sbr.rel @p0 .LBB2_8-.Ltmp2, $4  }
0x1fa: {  	v26 =	vadd.s32 v30, v23;
	v28 =	vadd.s32 s0, v46  }
0x1fb: {  	v29 =	vor.u32 v31, v26;
	v26 =	vand.u32 $0xF, v28;
	v1 =	vmul.f32 v1, v16  }
0x1fc: {  	v30 =	vor.u32 v7, v26  }
0x1fd: {  	s2 =	sadd.s32 $0x4, s2;
	v27 =	vadd.s32 s31, v46;
	[tilespmem:v0+s18+$0x0] =	vst.idx.msk $0xffff, v1  }
0x1fe: {  	v0 =	vand.u32 $0xF, v27  }
0x1ff: {  	v1 =	vor.u32 v0, v7;
	_ =	sdelay $0x4  }
0x200: {  	v31 =	vand.u32 $0x8, v27;
	v1 =	vld.idx.msk [tilespmem:v1+s21+$0x0], $0xffff  }
0x201: {  	v33 =	vand.u32 $0x7, v27;
	v34 =	vadd.s32 v2, v31  }
0x202: {  	v34 =	vor.u32 v33, v34  }
0x203: {  	v35 =	vor.u32 v27, v9;
	_ =	sdelay $0x1  }
0x204: {  	v1 =	vmul.f32 v1, v3;
	_ =	sdelay $0x1  }
0x205: {  	[tilespmem:v34+s18+$0x0] =	vst.idx.msk $0xffff, v1  }
0x206: {  	v1 =	vld.idx.msk [tilespmem:v35+s21+$0x0], $0xffff  }
0x207: {  	v42 =	vadd.s32 v31, v11  }
0x208: {  	v34 =	vor.u32 v33, v42  }
0x209: {  	v43 =	vor.u32 v0, v12;
	_ =	sdelay $0x1  }
0x20a: {  	v1 =	vmul.f32 v1, v4;
	_ =	sdelay $0x1  }
0x20b: {  	[tilespmem:v34+s18+$0x0] =	vst.idx.msk $0xffff, v1  }
0x20c: {  	v1 =	vld.idx.msk [tilespmem:v43+s21+$0x0], $0xffff  }
0x20d: {  	v44 =	vadd.s32 v31, v37  }
0x20e: {  	v34 =	vor.u32 v33, v44  }
0x20f: {  	v45 =	vor.u32 v27, v15;
	_ =	sdelay $0x1  }
0x210: {  	v1 =	vmul.f32 v1, v5;
	_ =	sdelay $0x1  }
0x211: {  	[tilespmem:v34+s18+$0x0] =	vst.idx.msk $0xffff, v1  }
0x212: {  	v1 =	vld.idx.msk [tilespmem:v45+s21+$0x0], $0xffff  }
0x213: {  	v47 =	vadd.s32 v31, v17  }
0x214: {  	v34 =	vor.u32 v33, v47  }
0x215: {  	v48 =	vor.u32 v0, v18;
	_ =	sdelay $0x1  }
0x216: {  	v1 =	vmul.f32 v1, v6;
	_ =	sdelay $0x1  }
0x217: {  	[tilespmem:v34+s18+$0x0] =	vst.idx.msk $0xffff, v1  }
0x218: {  	v1 =	vld.idx.msk [tilespmem:v48+s21+$0x0], $0xffff  }
0x219: {  	v49 =	vadd.s32 v31, v19  }
0x21a: {  	v34 =	vor.u32 v33, v49  }
0x21b: {  	v50 =	vor.u32 v27, v20;
	_ =	sdelay $0x1  }
0x21c: {  	v1 =	vmul.f32 v1, v8;
	_ =	sdelay $0x1  }
0x21d: {  	[tilespmem:v34+s18+$0x0] =	vst.idx.msk $0xffff, v1  }
0x21e: {  	v1 =	vld.idx.msk [tilespmem:v50+s21+$0x0], $0xffff  }
0x21f: {  	v51 =	vadd.s32 v31, v21  }
0x220: {  	v34 =	vor.u32 v33, v51  }
0x221: {  	v0 =	vor.u32 v0, v22;
	_ =	sdelay $0x1  }
0x222: {  	v1 =	vmul.f32 v1, v10;
	_ =	sdelay $0x1  }
0x223: {  	[tilespmem:v34+s18+$0x0] =	vst.idx.msk $0xffff, v1  }
0x224: {  	v0 =	vld.idx.msk [tilespmem:v0+s21+$0x0], $0xffff  }
0x225: {  	v52 =	vadd.s32 v31, v24  }
0x226: {  	v1 =	vor.u32 v33, v52  }
0x227: {  	v53 =	vor.u32 v27, v25;
	_ =	sdelay $0x1  }
0x228: {  	v0 =	vmul.f32 v0, v13;
	_ =	sdelay $0x1  }
0x229: {  	[tilespmem:v1+s18+$0x0] =	vst.idx.msk $0xffff, v0  }
0x22a: {  	s0 =	sadd.s32 $0x1, s31;
	v0 =	vld.idx.msk [tilespmem:v53+s21+$0x0], $0xffff  }
0x22b: {  	v54 =	vadd.s32 v31, v23;
	v55 =	vadd.s32 s0, v46  }
0x22c: {  	v56 =	vand.u32 $0xF, v55;
	v1 =	vor.u32 v33, v54  }
0x22d: {  	v57 =	vor.u32 v7, v56;
	_ =	sdelay $0x1  }
0x22e: {  	v0 =	vmul.f32 v0, v16;
	_ =	sdelay $0x1  }
0x22f: {  	[tilespmem:v1+s18+$0x0] =	vst.idx.msk $0xffff, v0  }
0x230: {  	v58 =	vand.u32 $0x8, v55;
	v0 =	vld.idx.msk [tilespmem:v57+s21+$0x0], $0xffff  }
0x231: {  	v27 =	vand.u32 $0x7, v55;
	v59 =	vadd.s32 v2, v58  }
0x232: {  	v33 =	vor.u32 v27, v59  }
0x233: {  	v60 =	vor.u32 v9, v56;
	_ =	sdelay $0x1  }
0x234: {  	v0 =	vmul.f32 v0, v3;
	_ =	sdelay $0x1  }
0x235: {  	[tilespmem:v33+s18+$0x0] =	vst.idx.msk $0xffff, v0  }
0x236: {  	v0 =	vld.idx.msk [tilespmem:v60+s21+$0x0], $0xffff  }
0x237: {  	v61 =	vadd.s32 v58, v11  }
0x238: {  	v33 =	vor.u32 v27, v61  }
0x239: {  	v62 =	vor.u32 v12, v56;
	_ =	sdelay $0x1  }
0x23a: {  	v0 =	vmul.f32 v0, v4;
	_ =	sdelay $0x1  }
0x23b: {  	[tilespmem:v33+s18+$0x0] =	vst.idx.msk $0xffff, v0  }
0x23c: {  	v0 =	vld.idx.msk [tilespmem:v62+s21+$0x0], $0xffff  }
0x23d: {  	v63 =	vadd.s32 v58, v37  }
0x23e: {  	v33 =	vor.u32 v27, v63  }
0x23f: {  	v14 =	vor.u32 v15, v56;
	_ =	sdelay $0x1  }
0x240: {  	v0 =	vmul.f32 v0, v5;
	_ =	sdelay $0x1  }
0x241: {  	[tilespmem:v33+s18+$0x0] =	vst.idx.msk $0xffff, v0  }
0x242: {  	v0 =	vld.idx.msk [tilespmem:v14+s21+$0x0], $0xffff  }
0x243: {  	v36 =	vadd.s32 v58, v17  }
0x244: {  	v33 =	vor.u32 v27, v36  }
0x245: {  	v38 =	vor.u32 v18, v56;
	_ =	sdelay $0x1  }
0x246: {  	v0 =	vmul.f32 v0, v6;
	_ =	sdelay $0x1  }
0x247: {  	[tilespmem:v33+s18+$0x0] =	vst.idx.msk $0xffff, v0  }
0x248: {  	v0 =	vld.idx.msk [tilespmem:v38+s21+$0x0], $0xffff  }
0x249: {  	v39 =	vadd.s32 v58, v19  }
0x24a: {  	v33 =	vor.u32 v27, v39  }
0x24b: {  	v40 =	vor.u32 v20, v56;
	_ =	sdelay $0x1  }
0x24c: {  	v0 =	vmul.f32 v0, v8;
	_ =	sdelay $0x1  }
0x24d: {  	[tilespmem:v33+s18+$0x0] =	vst.idx.msk $0xffff, v0  }
0x24e: {  	v0 =	vld.idx.msk [tilespmem:v40+s21+$0x0], $0xffff  }
0x24f: {  	v41 =	vadd.s32 v58, v21  }
0x250: {  	v33 =	vor.u32 v27, v41  }
0x251: {  	v42 =	vor.u32 v22, v56;
	_ =	sdelay $0x1  }
0x252: {  	v0 =	vmul.f32 v0, v10;
	_ =	sdelay $0x1  }
0x253: {  	[tilespmem:v33+s18+$0x0] =	vst.idx.msk $0xffff, v0  }
0x254: {  	v0 =	vld.idx.msk [tilespmem:v42+s21+$0x0], $0xffff  }
0x255: {  	v43 =	vadd.s32 v58, v24  }
0x256: {  	v33 =	vor.u32 v27, v43  }
0x257: {  	v31 =	vor.u32 v25, v56;
	_ =	sdelay $0x1  }
0x258: {  	v0 =	vmul.f32 v0, v13;
	_ =	sdelay $0x1  }
0x259: {  	[tilespmem:v33+s18+$0x0] =	vst.idx.msk $0xffff, v0  }
0x25a: {  	s4 =	sadd.s32 $0x2, s31;
	v0 =	vld.idx.msk [tilespmem:v31+s21+$0x0], $0xffff  }
0x25b: {  	v44 =	vadd.s32 s4, v46;
	v1 =	vadd.s32 v58, v23  }
0x25c: {  	v1 =	vor.u32 v27, v1;
	v27 =	vand.u32 $0xF, v44  }
0x25d: {  	v45 =	vor.u32 v7, v27  }
0x25e: {  	v32 =	vmul.f32 v32, v16  }
0x25f: {  	v0 =	vmul.f32 v0, v16  }
0x260: {  	[tilespmem:v29+s18+$0x0] =	vst.idx.msk $0xffff, v32  }
0x261: {  	v29 =	vld.idx.msk [tilespmem:v30+s21+$0x0], $0xffff;
	v30 =	vand.u32 $0x8, v28;
	[tilespmem:v1+s18+$0x0] =	vst.idx.msk $0xffff, v0  }
0x262: {  	v32 =	vand.u32 $0x8, v44;
	v47 =	vadd.s32 v2, v30;
	v0 =	vand.u32 $0x7, v28;
	v48 =	vld.idx.msk [tilespmem:v45+s21+$0x0], $0xffff  }
0x263: {  	v49 =	vadd.s32 v2, v32;
	v31 =	vand.u32 $0x7, v44;
	v1 =	vor.u32 v0, v47  }
0x264: {  	v50 =	vor.u32 v9, v26;
	v33 =	vor.u32 v31, v49  }
0x265: {  	v51 =	vor.u32 v9, v27  }
0x266: {  	v29 =	vmul.f32 v29, v3  }
0x267: {  	v28 =	vmul.f32 v48, v3  }
0x268: {  	[tilespmem:v1+s18+$0x0] =	vst.idx.msk $0xffff, v29  }
0x269: {  	v1 =	vld.idx.msk [tilespmem:v50+s21+$0x0], $0xffff;
	[tilespmem:v33+s18+$0x0] =	vst.idx.msk $0xffff, v28  }
0x26a: {  	v52 =	vadd.s32 v30, v11;
	v53 =	vld.idx.msk [tilespmem:v51+s21+$0x0], $0xffff  }
0x26b: {  	v54 =	vadd.s32 v32, v11;
	v28 =	vor.u32 v0, v52  }
0x26c: {  	v55 =	vor.u32 v12, v26;
	v33 =	vor.u32 v31, v54  }
0x26d: {  	v56 =	vor.u32 v12, v27  }
0x26e: {  	v1 =	vmul.f32 v1, v4  }
0x26f: {  	v29 =	vmul.f32 v53, v4  }
0x270: {  	[tilespmem:v28+s18+$0x0] =	vst.idx.msk $0xffff, v1  }
0x271: {  	v1 =	vld.idx.msk [tilespmem:v55+s21+$0x0], $0xffff;
	[tilespmem:v33+s18+$0x0] =	vst.idx.msk $0xffff, v29  }
0x272: {  	v57 =	vadd.s32 v30, v37;
	v29 =	vld.idx.msk [tilespmem:v56+s21+$0x0], $0xffff  }
0x273: {  	v58 =	vadd.s32 v32, v37;
	v28 =	vor.u32 v0, v57  }
0x274: {  	v59 =	vor.u32 v15, v26;
	v33 =	vor.u32 v31, v58  }
0x275: {  	v60 =	vor.u32 v15, v27  }
0x276: {  	v1 =	vmul.f32 v1, v5  }
0x277: {  	v29 =	vmul.f32 v29, v5  }
0x278: {  	[tilespmem:v28+s18+$0x0] =	vst.idx.msk $0xffff, v1  }
0x279: {  	v1 =	vld.idx.msk [tilespmem:v59+s21+$0x0], $0xffff;
	[tilespmem:v33+s18+$0x0] =	vst.idx.msk $0xffff, v29  }
0x27a: {  	v61 =	vadd.s32 v30, v17;
	v29 =	vld.idx.msk [tilespmem:v60+s21+$0x0], $0xffff  }
0x27b: {  	v62 =	vadd.s32 v32, v17;
	v28 =	vor.u32 v0, v61  }
0x27c: {  	v63 =	vor.u32 v18, v26;
	v33 =	vor.u32 v31, v62  }
0x27d: {  	v14 =	vor.u32 v18, v27  }
0x27e: {  	v1 =	vmul.f32 v1, v6  }
0x27f: {  	v29 =	vmul.f32 v29, v6  }
0x280: {  	[tilespmem:v28+s18+$0x0] =	vst.idx.msk $0xffff, v1  }
0x281: {  	v1 =	vld.idx.msk [tilespmem:v63+s21+$0x0], $0xffff;
	[tilespmem:v33+s18+$0x0] =	vst.idx.msk $0xffff, v29  }
0x282: {  	v34 =	vadd.s32 v30, v19;
	v29 =	vld.idx.msk [tilespmem:v14+s21+$0x0], $0xffff  }
0x283: {  	v36 =	vadd.s32 v32, v19;
	v28 =	vor.u32 v0, v34  }
0x284: {  	v38 =	vor.u32 v20, v26;
	v33 =	vor.u32 v31, v36  }
0x285: {  	v39 =	vor.u32 v20, v27  }
0x286: {  	v1 =	vmul.f32 v1, v8  }
0x287: {  	v29 =	vmul.f32 v29, v8  }
0x288: {  	[tilespmem:v28+s18+$0x0] =	vst.idx.msk $0xffff, v1  }
0x289: {  	v1 =	vld.idx.msk [tilespmem:v38+s21+$0x0], $0xffff;
	[tilespmem:v33+s18+$0x0] =	vst.idx.msk $0xffff, v29  }
0x28a: {  	v40 =	vadd.s32 v30, v21;
	v29 =	vld.idx.msk [tilespmem:v39+s21+$0x0], $0xffff  }
0x28b: {  	v41 =	vadd.s32 v32, v21;
	v28 =	vor.u32 v0, v40  }
0x28c: {  	v42 =	vor.u32 v22, v26;
	v33 =	vor.u32 v31, v41  }
0x28d: {  	v43 =	vor.u32 v22, v27  }
0x28e: {  	v1 =	vmul.f32 v1, v10  }
0x28f: {  	v29 =	vmul.f32 v29, v10  }
0x290: {  	[tilespmem:v28+s18+$0x0] =	vst.idx.msk $0xffff, v1  }
0x291: {  	v1 =	vld.idx.msk [tilespmem:v42+s21+$0x0], $0xffff;
	[tilespmem:v33+s18+$0x0] =	vst.idx.msk $0xffff, v29  }
0x292: {  	v44 =	vadd.s32 v30, v24;
	v29 =	vld.idx.msk [tilespmem:v43+s21+$0x0], $0xffff  }
0x293: {  	v45 =	vadd.s32 v32, v24;
	v28 =	vor.u32 v0, v44  }
0x294: {  	v47 =	vor.u32 v25, v26;
	v33 =	vor.u32 v31, v45  }
0x295: {  	v27 =	vor.u32 v25, v27  }
0x296: {  	v1 =	vmul.f32 v1, v13  }
0x297: {  	v29 =	vmul.f32 v29, v13  }
0x298: {  	[tilespmem:v28+s18+$0x0] =	vst.idx.msk $0xffff, v1  }
0x299: {  	s30 =	sadd.s32 $0x3, s30;
	s31 =	sadd.s32 $0x3, s31;
	v1 =	vld.idx.msk [tilespmem:v47+s21+$0x0], $0xffff;
	[tilespmem:v33+s18+$0x0] =	vst.idx.msk $0xffff, v29  }
0x29a: {  	v49 =	vadd.s32 s30, v46;
	v48 =	vadd.s32 v30, v23;
	v52 =	vadd.s32 s31, v46;
	v50 =	vld.idx.msk [tilespmem:v27+s21+$0x0], $0xffff  }
0x29b: {  	v51 =	vadd.s32 v32, v23;
	v0 =	vor.u32 v0, v48;
	v27 =	vand.u32 $0xF, v49  }
0x29c: {  	v54 =	vand.u32 $0xF, v52;
	v29 =	vor.u32 v31, v51;
	v53 =	vor.u32 v7, v27  }
0x29d: {  	v55 =	vor.u32 v7, v54  }
0x29e: {  	v1 =	vmul.f32 v1, v16  }
0x29f: {  	v26 =	vmul.f32 v50, v16  }
0x2a0: {  	[tilespmem:v0+s18+$0x0] =	vst.idx.msk $0xffff, v1  }
0x2a1: {  	v56 =	vand.u32 $0x8, v49;
	v0 =	vld.idx.msk [tilespmem:v53+s21+$0x0], $0xffff;
	[tilespmem:v29+s18+$0x0] =	vst.idx.msk $0xffff, v26  }
0x2a2: {  	v57 =	vand.u32 $0x7, v49;
	v58 =	vadd.s32 v2, v56;
	v59 =	vand.u32 $0x8, v52;
	v7 =	vld.idx.msk [tilespmem:v55+s21+$0x0], $0xffff  }
0x2a3: {  	v30 =	vand.u32 $0x7, v52;
	v60 =	vadd.s32 v2, v59;
	v28 =	vor.u32 v57, v58  }
0x2a4: {  	v32 =	vor.u32 v30, v60;
	v61 =	vor.u32 v9, v27  }
0x2a5: {  	v62 =	vor.u32 v9, v54  }
0x2a6: {  	v0 =	vmul.f32 v0, v3  }
0x2a7: {  	v7 =	vmul.f32 v7, v3  }
0x2a8: {  	[tilespmem:v28+s18+$0x0] =	vst.idx.msk $0xffff, v0  }
0x2a9: {  	v0 =	vld.idx.msk [tilespmem:v61+s21+$0x0], $0xffff;
	[tilespmem:v32+s18+$0x0] =	vst.idx.msk $0xffff, v7  }
0x2aa: {  	v63 =	vadd.s32 v56, v11;
	v9 =	vld.idx.msk [tilespmem:v62+s21+$0x0], $0xffff  }
0x2ab: {  	v14 =	vadd.s32 v59, v11;
	v7 =	vor.u32 v57, v63  }
0x2ac: {  	v11 =	vor.u32 v30, v14;
	v32 =	vor.u32 v12, v27  }
0x2ad: {  	v33 =	vor.u32 v12, v54  }
0x2ae: {  	v0 =	vmul.f32 v0, v4  }
0x2af: {  	v9 =	vmul.f32 v9, v4  }
0x2b0: {  	[tilespmem:v7+s18+$0x0] =	vst.idx.msk $0xffff, v0  }
0x2b1: {  	v0 =	vld.idx.msk [tilespmem:v32+s21+$0x0], $0xffff;
	[tilespmem:v11+s18+$0x0] =	vst.idx.msk $0xffff, v9  }
0x2b2: {  	v34 =	vadd.s32 v56, v37;
	v9 =	vld.idx.msk [tilespmem:v33+s21+$0x0], $0xffff  }
0x2b3: {  	v35 =	vadd.s32 v59, v37;
	v7 =	vor.u32 v57, v34  }
0x2b4: {  	v36 =	vor.u32 v15, v27;
	v11 =	vor.u32 v30, v35  }
0x2b5: {  	v14 =	vor.u32 v15, v54  }
0x2b6: {  	v0 =	vmul.f32 v0, v5  }
0x2b7: {  	v9 =	vmul.f32 v9, v5  }
0x2b8: {  	[tilespmem:v7+s18+$0x0] =	vst.idx.msk $0xffff, v0  }
0x2b9: {  	v0 =	vld.idx.msk [tilespmem:v36+s21+$0x0], $0xffff;
	[tilespmem:v11+s18+$0x0] =	vst.idx.msk $0xffff, v9  }
0x2ba: {  	v37 =	vadd.s32 v56, v17;
	v9 =	vld.idx.msk [tilespmem:v14+s21+$0x0], $0xffff  }
0x2bb: {  	v38 =	vadd.s32 v59, v17;
	v7 =	vor.u32 v57, v37  }
0x2bc: {  	v39 =	vor.u32 v18, v27;
	v11 =	vor.u32 v30, v38  }
0x2bd: {  	v40 =	vor.u32 v18, v54  }
0x2be: {  	v0 =	vmul.f32 v0, v6  }
0x2bf: {  	v9 =	vmul.f32 v9, v6  }
0x2c0: {  	[tilespmem:v7+s18+$0x0] =	vst.idx.msk $0xffff, v0  }
0x2c1: {  	v0 =	vld.idx.msk [tilespmem:v39+s21+$0x0], $0xffff;
	[tilespmem:v11+s18+$0x0] =	vst.idx.msk $0xffff, v9  }
0x2c2: {  	v41 =	vadd.s32 v56, v19;
	v9 =	vld.idx.msk [tilespmem:v40+s21+$0x0], $0xffff  }
0x2c3: {  	v42 =	vadd.s32 v59, v19;
	v7 =	vor.u32 v57, v41  }
0x2c4: {  	v43 =	vor.u32 v20, v27;
	v11 =	vor.u32 v30, v42  }
0x2c5: {  	v44 =	vor.u32 v20, v54  }
0x2c6: {  	v0 =	vmul.f32 v0, v8  }
0x2c7: {  	v9 =	vmul.f32 v9, v8  }
0x2c8: {  	[tilespmem:v7+s18+$0x0] =	vst.idx.msk $0xffff, v0  }
0x2c9: {  	v0 =	vld.idx.msk [tilespmem:v43+s21+$0x0], $0xffff;
	[tilespmem:v11+s18+$0x0] =	vst.idx.msk $0xffff, v9  }
0x2ca: {  	v45 =	vadd.s32 v56, v21;
	v9 =	vld.idx.msk [tilespmem:v44+s21+$0x0], $0xffff  }
0x2cb: {  	v47 =	vadd.s32 v59, v21;
	v7 =	vor.u32 v57, v45  }
0x2cc: {  	v48 =	vor.u32 v22, v27;
	v11 =	vor.u32 v30, v47  }
0x2cd: {  	v49 =	vor.u32 v22, v54  }
0x2ce: {  	v0 =	vmul.f32 v0, v10  }
0x2cf: {  	v9 =	vmul.f32 v9, v10  }
0x2d0: {  	[tilespmem:v7+s18+$0x0] =	vst.idx.msk $0xffff, v0  }
0x2d1: {  	v0 =	vld.idx.msk [tilespmem:v48+s21+$0x0], $0xffff;
	[tilespmem:v11+s18+$0x0] =	vst.idx.msk $0xffff, v9  }
0x2d2: {  	v50 =	vadd.s32 v56, v24;
	v9 =	vld.idx.msk [tilespmem:v49+s21+$0x0], $0xffff  }
0x2d3: {  	v51 =	vadd.s32 v59, v24;
	v7 =	vor.u32 v57, v50  }
0x2d4: {  	v52 =	vor.u32 v25, v27;
	v11 =	vor.u32 v30, v51  }
0x2d5: {  	v53 =	vor.u32 v25, v54  }
0x2d6: {  	v0 =	vmul.f32 v0, v13  }
0x2d7: {  	v9 =	vmul.f32 v9, v13  }
0x2d8: {  	[tilespmem:v7+s18+$0x0] =	vst.idx.msk $0xffff, v0  }
0x2d9: {  	v0 =	vld.idx.msk [tilespmem:v52+s21+$0x0], $0xffff;
	[tilespmem:v11+s18+$0x0] =	vst.idx.msk $0xffff, v9  }
0x2da: {  	v1 =	vadd.s32 v56, v23;
	v54 =	vld.idx.msk [tilespmem:v53+s21+$0x0], $0xffff  }
0x2db: {  	v1 =	vor.u32 v57, v1;
	v55 =	vadd.s32 v59, v23  }
0x2dc: {  	v9 =	vor.u32 v30, v55  }
0x2dd: {  	v56 =	vadd.s32 $0x80, v2  }
0x2de: {  	v57 =	vadd.s32 $0x81, v2;
	v0 =	vmul.f32 v0, v16  }
0x2df: {  	v58 =	vadd.s32 $0x82, v2;
	v7 =	vmul.f32 v54, v16  }
0x2e0: {  	v59 =	vadd.s32 $0x83, v2;
	[tilespmem:v1+s18+$0x0] =	vst.idx.msk $0xffff, v0  }
0x2e1: {  	v60 =	vadd.s32 $0x84, v2;
	[tilespmem:v9+s18+$0x0] =	vst.idx.msk $0xffff, v7  }
0x2e2: {  	v61 =	vadd.s32 $0x85, v2;
	[tilespmem:v56+s18+$0x0] =	vst.idx.msk $0xffff, v3  }
0x2e3: {  	s29 =	sadd.s32 $0x1, s29;
	v62 =	vadd.s32 $0x86, v2;
	[tilespmem:v57+s18+$0x0] =	vst.idx.msk $0xffff, v4  }
0x2e4: {  	p0 =	sne.s32 s29, $0x5;
	v63 =	vadd.s32 $0x87, v2;
	[tilespmem:v58+s18+$0x0] =	vst.idx.msk $0xffff, v5  }
.Ltmp3:
0x2e5: {  	[tilespmem:v59+s18+$0x0] =	vst.idx.msk $0xffff, v6;
	(pc) =	sbr.rel @p0 .LBB2_5-.Ltmp3, $4  }
0x2e6: {  	[tilespmem:v60+s18+$0x0] =	vst.idx.msk $0xffff, v8  }
0x2e7: {  	[tilespmem:v61+s18+$0x0] =	vst.idx.msk $0xffff, v10  }
0x2e8: {  	[tilespmem:v62+s18+$0x0] =	vst.idx.msk $0xffff, v13  }
0x2e9: {  	[tilespmem:v63+s18+$0x0] =	vst.idx.msk $0xffff, v16  }
0x2ea: {  	s28 =	sadd.s32 $0x1, s28  }
0x2eb: {  	p0 =	sne.s32 s28, $0x7D  }
.Ltmp4:
0x2ec: {  	_ = 	snop;
	(pc) =	sbr.rel @p0 .LBB2_4-.Ltmp4, $4  }
0x2ed: {  	[spmem:s3] =	stream.indirect.scatter.add.f32 [tilespmem:s18], [sflag:$0x3], $0x88, s20, s20, $0xb8;
	[tilespmem:$0x1F720] =	vst v63  }
0x2ee: {  	_ =	swait.ge [sflag:s19], $0x2A80  }
0x2ef: {  	[sflag:s19] =	ssyncset.done $0x0  }
0x2f0: {  	[sflag:s19] =	ssyncadd.s32 $0xFFFFD580  }
0x2f1: {  	s0 =	stileid.u32;
	s25 =	sadd.s32 $0x1, s25  }
0x2f2: {  	[bflag:$0x0] =	sbarrier.arrive $0xFFFF;
	s0 =	sshll.u32 s0, $0x6;
	p0 =	sne.s32 s25, s17  }
.Ltmp5:
0x2f3: {  	s2 =	sshrl.u32 s8, $0x3;
	s0 =	sor.u32 $0x1C03, s0;
	(pc) =	sbr.rel @p0 .LBB2_1-.Ltmp5, $4  }
0x2f4: {  	[hbm:s16], [sflag:s0] =	dma.local [spmem:s2], $0x2A80  }
0x2f5: {  	_ =	swait.ge [sflag:s19], $0x2A80  }
0x2f6: {  	[sflag:s19] =	ssyncset.done $0x0  }
0x2f7: {  	v0 =	vimm.f32 $0.0e+00;
	[sflag:s19] =	ssyncadd.s32 $0xFFFFD580  }
0x2f8: {  	_ =	sfence.sel $0x180000  }
0x2f9: {  	[bflag:$0x0] =	sbarrier.arrive $0xFFFF  }
0x2fa: {  	_ =	strace $0x90000047  }
0x2fb: {  	s0 =	stileid.u32;
	[bflag:$0x2] =	sbarrier.arrive $0xFFFF  }
0x2fc: {  	p0 =	sne.s32 s0, $0x0;
	s0 =	rddreg [dreg:$0x3]  }
0x2fd: {  	s0 =	sadd.s32 @!p0 $0x100000, s0  }
0x2fe: {  	[sflag:s0] =	ssyncadd.tile.s32 @!p0 $0x1;
	_ =	shalt  }
.Lfunc_end2:
_tile_overlayer_lowered:
.L_overlay_start_2:
0x2ff: {  	(tag) =	ssettag $0x2  }
0x300: {  	s0 =	rddreg [dreg:$0x0];
	s2 =	stileid.u32  }
0x301: {  	s1 =	rddreg [dreg:$0x1];
	p0 =	sne.s32 s2, $0x0  }
0x302: {  	s3 =	rddreg [dreg:$0x2];
	[bflag:$0x3] =	sbarrier.arrive $0xFFFF;
	s2 =	simm.s32 @!p0 $0x1C03  }
0x303: {  	[timem:s3], [sflag:s2] =	dma.local @!p0 [hbm:s0], s1  }
0x304: {  	s0 =	simm.s32 @!p0 $0x3  }
0x305: {  	_ =	swait.ge @!p0 [sflag:s0], s1  }
0x306: {  	s1 =	ssub.s32 @!p0 $0x0, s1;
	[sflag:s0] =	ssyncset.done @!p0 $0x0  }
0x307: {  	[sflag:s0] =	ssyncadd.s32 @!p0 s1  }
0x308: {  	[bflag:$0x3] =	sbarrier.arrive $0xFFFF  }
0x309: {  	_ =	shalt  }

</sc_bundles>
